<compile_context>
chip_gen: v7x
topology: tpu7x:2x2x1
jax: 0.10.2.dev20260603
libtpu: 0.0.44.dev20260713+nightly
codegen_flags: <defaults>
</compile_context>

<pallas_src>
import jax
import jax.numpy as jnp
from jax import lax
from jax.experimental import pallas as pl
from jax.experimental.pallas import tpu as pltpu, tpu_sc as plsc

N_TOK = 100000
N_ELEM = 100
N_ANUM = 120
NC, NS = 2, 16
NW = NC * NS
CHUNK = 128
NFULL = N_TOK // CHUNK
TAIL = N_TOK - NFULL * CHUNK
KMAX = -(-NFULL // NW)
GROUPS = CHUNK // 16
TGROUPS = TAIL // 16
TAIL_W = NFULL - (KMAX - 1) * NW


def _body(elements_hbm, eidx_hbm, eye_hbm, out_hbm,
          eidx_v, eye_v, ebuf0, ebuf1, tbuf, idxs, blk0, blk1, tailblk,
          esem0, esem1, osem0, osem1):
    ebuf = (ebuf0, ebuf1)
    blk = (blk0, blk1)
    cid = lax.axis_index("c")
    sid = lax.axis_index("s")
    wid = sid * NC + cid

    pltpu.sync_copy(eidx_hbm, eidx_v.at[pl.ds(0, N_ANUM)])
    pltpu.sync_copy(eye_hbm, eye_v)

    zeros16 = jnp.zeros((16,), jnp.float32)

    for buf, width in ((blk0, CHUNK), (blk1, CHUNK), (tailblk, TAIL)):
        @pl.loop(0, N_ELEM)
        def _(r, buf=buf, width=width):
            for c in range(0, width, 16):
                buf[r, pl.ds(c, 16)] = zeros16

    lane = lax.broadcasted_iota(jnp.int32, (16,), 0)
    esem = (esem0, esem1)
    osem = (osem0, osem1)

    def elems_in(k, b):
        base = (wid + NW * k) * CHUNK
        return pltpu.make_async_copy(
            elements_hbm.at[pl.ds(base, CHUNK)], ebuf[b], esem[b]
        )

    def blk_out(k, b):
        base = (wid + NW * k) * CHUNK
        return pltpu.make_async_copy(
            blk[b], out_hbm.at[:, pl.ds(base, CHUNK)], osem[b]
        )

    elems_in(0, 0).start()
    elems_in(1, 1).start()

    def chunk_body(k, b):
        g = wid + NW * k

        @pl.when(k >= 2)
        def _():
            blk_out(k - 2, b).wait()
            for j in range(GROUPS):
                idx_g = idxs[b, j, :]
                plsc.store_scatter(blk[b], [idx_g, j * 16 + lane], zeros16)

        @pl.when(g < NFULL)
        def _():
            elems_in(k, b).wait()
            for j in range(GROUPS):
                elems_g = ebuf[b][pl.ds(j * 16, 16)]
                idx_g = plsc.load_gather(eidx_v, [elems_g])
                val_g = plsc.load_gather(eye_v, [idx_g, idx_g])
                plsc.store_scatter(blk[b], [idx_g, j * 16 + lane], val_g)
                idxs[b, j, :] = idx_g
            blk_out(k, b).start()

            @pl.when(g + 2 * NW < NFULL)
            def _():
                elems_in(k + 2, b).start()

    @pl.loop(0, KMAX // 2)
    def _(kk):
        chunk_body(2 * kk, 0)
        chunk_body(2 * kk + 1, 1)

    chunk_body(KMAX - 1, (KMAX - 1) % 2)

    @pl.when(wid == TAIL_W)
    def _():
        base = NFULL * CHUNK
        pltpu.sync_copy(elements_hbm.at[pl.ds(base, TAIL)], tbuf)
        for j in range(TGROUPS):
            elems_g = tbuf[pl.ds(j * 16, 16)]
            idx_g = plsc.load_gather(eidx_v, [elems_g])
            val_g = plsc.load_gather(eye_v, [idx_g, idx_g])
            plsc.store_scatter(tailblk, [idx_g, j * 16 + lane], val_g)
        pltpu.sync_copy(tailblk, out_hbm.at[:, pl.ds(base, TAIL)])

    for k in (KMAX - 2, KMAX - 1):
        @pl.when(wid + NW * k < NFULL)
        def _(k=k):
            blk_out(k, k % 2).wait()


def _run(elements, element_idx, eye):
    mesh = plsc.VectorSubcoreMesh(
        core_axis_name="c", subcore_axis_name="s", num_cores=NC, num_subcores=NS
    )
    run = pl.kernel(
        _body,
        out_type=jax.ShapeDtypeStruct((N_ELEM, N_TOK), jnp.float32),
        mesh=mesh,
        scratch_types=[
            pltpu.VMEM((128,), jnp.int32),
            pltpu.VMEM((N_ELEM, N_ELEM), jnp.float32),
            pltpu.VMEM((CHUNK,), jnp.int32),
            pltpu.VMEM((CHUNK,), jnp.int32),
            pltpu.VMEM((TAIL,), jnp.int32),
            pltpu.VMEM((2, GROUPS, 16), jnp.int32),
            pltpu.VMEM((N_ELEM, CHUNK), jnp.float32),
            pltpu.VMEM((N_ELEM, CHUNK), jnp.float32),
            pltpu.VMEM((N_ELEM, TAIL), jnp.float32),
            pltpu.SemaphoreType.DMA,
            pltpu.SemaphoreType.DMA,
            pltpu.SemaphoreType.DMA,
            pltpu.SemaphoreType.DMA,
        ],
        compiler_params=pltpu.CompilerParams(needs_layout_passes=False),
    )
    return run(elements, element_idx, eye)


@jax.jit
def kernel(elements, element_idx, eye):
    return _run(elements, element_idx, eye).T

# --- scband reference (transcript-rebuilt; emitter-appended) ---
"""Pipeline reference for scband-one-hot-element-embedding-987842478181 (READ-ONLY COPY).

The authoritative reference and input builder live on the scoring server;
editing this copy changes nothing except your own understanding.
"""

import jax, jax.numpy as jnp
import numpy as np

N_ELEMENTS = 100
N_TOKENS = 100000

def setup_inputs(seed: int = 0) -> dict:
    key = jax.random.key(seed)
    # forward arg: atomic numbers of each atom, all in the configured element set [0, 100)
    elements = jax.random.randint(key, (N_TOKENS,), 0, N_ELEMENTS, dtype=jnp.int32)
    # buffer built in __init__: element_idx[atomic_number] -> dense element index (-1 if absent)
    element_idx = jnp.full((120,), -1, dtype=jnp.int32)
    element_idx = element_idx.at[jnp.arange(N_ELEMENTS)].set(jnp.arange(N_ELEMENTS, dtype=jnp.int32))
    # one-hot basis: identity matrix; row gather == nn.functional.one_hot(...).float()
    eye = jnp.eye(N_ELEMENTS, dtype=jnp.float32)
    return {"elements": elements, "element_idx": element_idx, "eye": eye}

def reference(elements, element_idx, eye):
    # embed(): emb = one_hot(element_idx[elements], n_elements).float()
    idx = jnp.take(element_idx, elements, axis=0)
    emb = jnp.take(eye, idx, axis=0)
    return emb

if __name__ == "__main__":
    import jax
    _d = setup_inputs()
    print(jax.jit(kernel)(*tuple(_d.values())))

</pallas_src>

<mosaic_0001>
#map = affine_map<(d0, d1) -> (0)>
#map1 = affine_map<(d0, d1) -> (0, 0)>
module attributes {stable_mosaic.version = 14 : i64} {
  func.func @_body(%arg0: i32, %arg1: i32, %arg2: memref<100000xi32, #tpu.memory_space<hbm>>, %arg3: memref<120xi32, #tpu.memory_space<hbm>>, %arg4: memref<100x100xf32, #tpu.memory_space<hbm>>, %arg5: memref<100x100000xf32, #tpu.memory_space<hbm>>, %arg6: memref<128xi32, #tpu.memory_space<vmem>>, %arg7: memref<100x100xf32, #tpu.memory_space<vmem>>, %arg8: memref<128xi32, #tpu.memory_space<vmem>>, %arg9: memref<128xi32, #tpu.memory_space<vmem>>, %arg10: memref<32xi32, #tpu.memory_space<vmem>>, %arg11: memref<2x8x16xi32, #tpu.memory_space<vmem>>, %arg12: memref<100x128xf32, #tpu.memory_space<vmem>>, %arg13: memref<100x128xf32, #tpu.memory_space<vmem>>, %arg14: memref<100x32xf32, #tpu.memory_space<vmem>>, %arg15: memref<!tpu.dma_semaphore, #tpu.memory_space<semaphore_mem>>, %arg16: memref<!tpu.dma_semaphore, #tpu.memory_space<semaphore_mem>>, %arg17: memref<!tpu.dma_semaphore, #tpu.memory_space<semaphore_mem>>, %arg18: memref<!tpu.dma_semaphore, #tpu.memory_space<semaphore_mem>>) attributes {dimension_semantics = [#tpu.dimension_semantics<core_parallel>, #tpu.dimension_semantics<subcore_parallel>], iteration_bounds = array<i64: 2, 16>, scalar_prefetch = 0 : i64, scratch_operands = 13 : i64, tpu.core_type = #tpu.core_type<sc_vector_subcore>, window_params = [{transform_indices = #map}, {transform_indices = #map}, {transform_indices = #map1}, {transform_indices = #map1}]} {
    %mul3A = arith.constant 2 : i32
    %mul3A_0 = arith.muli %arg1, %mul3A : i32
    %add3A = arith.addi %mul3A_0, %arg0 : i32
    "tpu.region"() ({
      %run_scoped3A = tpu.sem_alloc : memref<!tpu.dma_semaphore, #tpu.memory_space<semaphore_mem>>
      %dma_start3A_132 = arith.constant 0 : i32
      %dma_start3A_133 = tpu.memref_slice %arg6[%dma_start3A_132] : memref<128xi32, #tpu.memory_space<vmem>> -> memref<120xi32, #tpu.memory_space<vmem>>
      %dma_start3A_134 = arith.constant 0 : i32
      %dma_start3A_135 = tpu.memref_slice %arg6[%dma_start3A_134] : memref<128xi32, #tpu.memory_space<vmem>> -> memref<120xi32, #tpu.memory_space<vmem>>
      tpu.enqueue_dma source(%arg3 : memref<120xi32, #tpu.memory_space<hbm>>) target(%dma_start3A_135 : memref<120xi32, #tpu.memory_space<vmem>>) target_semaphore(%run_scoped3A : memref<!tpu.dma_semaphore, #tpu.memory_space<semaphore_mem>>)
      %dma_wait3A_136 = arith.constant 0 : i32
      %dma_wait3A_137 = tpu.memref_slice %arg6[%dma_wait3A_136] : memref<128xi32, #tpu.memory_space<vmem>> -> memref<120xi32, #tpu.memory_space<vmem>>
      %dma_wait3A_138 = arith.constant 0 : i32
      %dma_wait3A_139 = tpu.memref_slice %arg6[%dma_wait3A_138] : memref<128xi32, #tpu.memory_space<vmem>> -> memref<120xi32, #tpu.memory_space<vmem>>
      tpu.wait_dma2 semaphore(%run_scoped3A : memref<!tpu.dma_semaphore, #tpu.memory_space<semaphore_mem>>) src(%arg3 : memref<120xi32, #tpu.memory_space<hbm>>) dst(%dma_wait3A_139 : memref<120xi32, #tpu.memory_space<vmem>>)
      tpu.yield
    }) : () -> ()
    "tpu.region"() ({
      %run_scoped3A = tpu.sem_alloc : memref<!tpu.dma_semaphore, #tpu.memory_space<semaphore_mem>>
      tpu.enqueue_dma source(%arg4 : memref<100x100xf32, #tpu.memory_space<hbm>>) target(%arg7 : memref<100x100xf32, #tpu.memory_space<vmem>>) target_semaphore(%run_scoped3A : memref<!tpu.dma_semaphore, #tpu.memory_space<semaphore_mem>>)
      tpu.wait_dma2 semaphore(%run_scoped3A : memref<!tpu.dma_semaphore, #tpu.memory_space<semaphore_mem>>) src(%arg4 : memref<100x100xf32, #tpu.memory_space<hbm>>) dst(%arg7 : memref<100x100xf32, #tpu.memory_space<vmem>>)
      tpu.yield
    }) : () -> ()
    %broadcast_in_dim3A = arith.constant 0.000000e+00 : f32
    %broadcast_in_dim3A_1 = vector.broadcast %broadcast_in_dim3A : f32 to vector<16xf32>
    %scan3A = arith.constant 0 : i32
    %scan3A_2 = arith.constant 100 : i32
    %scan3A_3 = arith.addi %scan3A, %scan3A_2 : i32
    %scan3A_4 = arith.constant 1 : i32
    scf.for %scan3A_132 = %scan3A to %scan3A_3 step %scan3A_4  : i32 {
      %mul3A_133 = arith.constant 1 : i32
      %mul3A_134 = arith.muli %scan3A_132, %mul3A_133 : i32
      %add3A_135 = arith.constant 0 : i32
      %add3A_136 = arith.addi %add3A_135, %mul3A_134 : i32
      %swap3A = arith.index_cast %add3A_136 : i32 to index
      %swap3A_137 = arith.constant 0 : index
      %swap3A_138 = tpu.vector_load %arg12[%swap3A, %swap3A_137] {strides = array<i32>} : memref<100x128xf32, #tpu.memory_space<vmem>>, vector<16xf32>,
      tpu.vector_store %arg12[%swap3A, %swap3A_137], %broadcast_in_dim3A_1 {strides = array<i32>} : memref<100x128xf32, #tpu.memory_space<vmem>>, vector<16xf32>,
      %swap3A_139 = arith.index_cast %add3A_136 : i32 to index
      %swap3A_140 = arith.constant 16 : index
      %swap3A_141 = tpu.vector_load %arg12[%swap3A_139, %swap3A_140] {strides = array<i32>} : memref<100x128xf32, #tpu.memory_space<vmem>>, vector<16xf32>,
      tpu.vector_store %arg12[%swap3A_139, %swap3A_140], %broadcast_in_dim3A_1 {strides = array<i32>} : memref<100x128xf32, #tpu.memory_space<vmem>>, vector<16xf32>,
      %swap3A_142 = arith.index_cast %add3A_136 : i32 to index
      %swap3A_143 = arith.constant 32 : index
      %swap3A_144 = tpu.vector_load %arg12[%swap3A_142, %swap3A_143] {strides = array<i32>} : memref<100x128xf32, #tpu.memory_space<vmem>>, vector<16xf32>,
      tpu.vector_store %arg12[%swap3A_142, %swap3A_143], %broadcast_in_dim3A_1 {strides = array<i32>} : memref<100x128xf32, #tpu.memory_space<vmem>>, vector<16xf32>,
      %swap3A_145 = arith.index_cast %add3A_136 : i32 to index
      %swap3A_146 = arith.constant 48 : index
      %swap3A_147 = tpu.vector_load %arg12[%swap3A_145, %swap3A_146] {strides = array<i32>} : memref<100x128xf32, #tpu.memory_space<vmem>>, vector<16xf32>,
      tpu.vector_store %arg12[%swap3A_145, %swap3A_146], %broadcast_in_dim3A_1 {strides = array<i32>} : memref<100x128xf32, #tpu.memory_space<vmem>>, vector<16xf32>,
      %swap3A_148 = arith.index_cast %add3A_136 : i32 to index
      %swap3A_149 = arith.constant 64 : index
      %swap3A_150 = tpu.vector_load %arg12[%swap3A_148, %swap3A_149] {strides = array<i32>} : memref<100x128xf32, #tpu.memory_space<vmem>>, vector<16xf32>,
      tpu.vector_store %arg12[%swap3A_148, %swap3A_149], %broadcast_in_dim3A_1 {strides = array<i32>} : memref<100x128xf32, #tpu.memory_space<vmem>>, vector<16xf32>,
      %swap3A_151 = arith.index_cast %add3A_136 : i32 to index
      %swap3A_152 = arith.constant 80 : index
      %swap3A_153 = tpu.vector_load %arg12[%swap3A_151, %swap3A_152] {strides = array<i32>} : memref<100x128xf32, #tpu.memory_space<vmem>>, vector<16xf32>,
      tpu.vector_store %arg12[%swap3A_151, %swap3A_152], %broadcast_in_dim3A_1 {strides = array<i32>} : memref<100x128xf32, #tpu.memory_space<vmem>>, vector<16xf32>,
      %swap3A_154 = arith.index_cast %add3A_136 : i32 to index
      %swap3A_155 = arith.constant 96 : index
      %swap3A_156 = tpu.vector_load %arg12[%swap3A_154, %swap3A_155] {strides = array<i32>} : memref<100x128xf32, #tpu.memory_space<vmem>>, vector<16xf32>,
      tpu.vector_store %arg12[%swap3A_154, %swap3A_155], %broadcast_in_dim3A_1 {strides = array<i32>} : memref<100x128xf32, #tpu.memory_space<vmem>>, vector<16xf32>,
      %swap3A_157 = arith.index_cast %add3A_136 : i32 to index
      %swap3A_158 = arith.constant 112 : index
      %swap3A_159 = tpu.vector_load %arg12[%swap3A_157, %swap3A_158] {strides = array<i32>} : memref<100x128xf32, #tpu.memory_space<vmem>>, vector<16xf32>,
      tpu.vector_store %arg12[%swap3A_157, %swap3A_158], %broadcast_in_dim3A_1 {strides = array<i32>} : memref<100x128xf32, #tpu.memory_space<vmem>>, vector<16xf32>,
    }
    %scan3A_5 = arith.constant 100 : i32
    %scan3A_6 = arith.constant 0 : i32
    %scan3A_7 = arith.constant 100 : i32
    %scan3A_8 = arith.addi %scan3A_6, %scan3A_7 : i32
    %scan3A_9 = arith.constant 1 : i32
    scf.for %scan3A_132 = %scan3A_6 to %scan3A_8 step %scan3A_9  : i32 {
      %mul3A_133 = arith.constant 1 : i32
      %mul3A_134 = arith.muli %scan3A_132, %mul3A_133 : i32
      %add3A_135 = arith.constant 0 : i32
      %add3A_136 = arith.addi %add3A_135, %mul3A_134 : i32
      %swap3A = arith.index_cast %add3A_136 : i32 to index
      %swap3A_137 = arith.constant 0 : index
      %swap3A_138 = tpu.vector_load %arg13[%swap3A, %swap3A_137] {strides = array<i32>} : memref<100x128xf32, #tpu.memory_space<vmem>>, vector<16xf32>,
      tpu.vector_store %arg13[%swap3A, %swap3A_137], %broadcast_in_dim3A_1 {strides = array<i32>} : memref<100x128xf32, #tpu.memory_space<vmem>>, vector<16xf32>,
      %swap3A_139 = arith.index_cast %add3A_136 : i32 to index
      %swap3A_140 = arith.constant 16 : index
      %swap3A_141 = tpu.vector_load %arg13[%swap3A_139, %swap3A_140] {strides = array<i32>} : memref<100x128xf32, #tpu.memory_space<vmem>>, vector<16xf32>,
      tpu.vector_store %arg13[%swap3A_139, %swap3A_140], %broadcast_in_dim3A_1 {strides = array<i32>} : memref<100x128xf32, #tpu.memory_space<vmem>>, vector<16xf32>,
      %swap3A_142 = arith.index_cast %add3A_136 : i32 to index
      %swap3A_143 = arith.constant 32 : index
      %swap3A_144 = tpu.vector_load %arg13[%swap3A_142, %swap3A_143] {strides = array<i32>} : memref<100x128xf32, #tpu.memory_space<vmem>>, vector<16xf32>,
      tpu.vector_store %arg13[%swap3A_142, %swap3A_143], %broadcast_in_dim3A_1 {strides = array<i32>} : memref<100x128xf32, #tpu.memory_space<vmem>>, vector<16xf32>,
      %swap3A_145 = arith.index_cast %add3A_136 : i32 to index
      %swap3A_146 = arith.constant 48 : index
      %swap3A_147 = tpu.vector_load %arg13[%swap3A_145, %swap3A_146] {strides = array<i32>} : memref<100x128xf32, #tpu.memory_space<vmem>>, vector<16xf32>,
      tpu.vector_store %arg13[%swap3A_145, %swap3A_146], %broadcast_in_dim3A_1 {strides = array<i32>} : memref<100x128xf32, #tpu.memory_space<vmem>>, vector<16xf32>,
      %swap3A_148 = arith.index_cast %add3A_136 : i32 to index
      %swap3A_149 = arith.constant 64 : index
      %swap3A_150 = tpu.vector_load %arg13[%swap3A_148, %swap3A_149] {strides = array<i32>} : memref<100x128xf32, #tpu.memory_space<vmem>>, vector<16xf32>,
      tpu.vector_store %arg13[%swap3A_148, %swap3A_149], %broadcast_in_dim3A_1 {strides = array<i32>} : memref<100x128xf32, #tpu.memory_space<vmem>>, vector<16xf32>,
      %swap3A_151 = arith.index_cast %add3A_136 : i32 to index
      %swap3A_152 = arith.constant 80 : index
      %swap3A_153 = tpu.vector_load %arg13[%swap3A_151, %swap3A_152] {strides = array<i32>} : memref<100x128xf32, #tpu.memory_space<vmem>>, vector<16xf32>,
      tpu.vector_store %arg13[%swap3A_151, %swap3A_152], %broadcast_in_dim3A_1 {strides = array<i32>} : memref<100x128xf32, #tpu.memory_space<vmem>>, vector<16xf32>,
      %swap3A_154 = arith.index_cast %add3A_136 : i32 to index
      %swap3A_155 = arith.constant 96 : index
      %swap3A_156 = tpu.vector_load %arg13[%swap3A_154, %swap3A_155] {strides = array<i32>} : memref<100x128xf32, #tpu.memory_space<vmem>>, vector<16xf32>,
      tpu.vector_store %arg13[%swap3A_154, %swap3A_155], %broadcast_in_dim3A_1 {strides = array<i32>} : memref<100x128xf32, #tpu.memory_space<vmem>>, vector<16xf32>,
      %swap3A_157 = arith.index_cast %add3A_136 : i32 to index
      %swap3A_158 = arith.constant 112 : index
      %swap3A_159 = tpu.vector_load %arg13[%swap3A_157, %swap3A_158] {strides = array<i32>} : memref<100x128xf32, #tpu.memory_space<vmem>>, vector<16xf32>,
      tpu.vector_store %arg13[%swap3A_157, %swap3A_158], %broadcast_in_dim3A_1 {strides = array<i32>} : memref<100x128xf32, #tpu.memory_space<vmem>>, vector<16xf32>,
    }
    %scan3A_10 = arith.constant 100 : i32
    %scan3A_11 = arith.constant 0 : i32
    %scan3A_12 = arith.constant 100 : i32
    %scan3A_13 = arith.addi %scan3A_11, %scan3A_12 : i32
    %scan3A_14 = arith.constant 1 : i32
    scf.for %scan3A_132 = %scan3A_11 to %scan3A_13 step %scan3A_14  : i32 {
      %mul3A_133 = arith.constant 1 : i32
      %mul3A_134 = arith.muli %scan3A_132, %mul3A_133 : i32
      %add3A_135 = arith.constant 0 : i32
      %add3A_136 = arith.addi %add3A_135, %mul3A_134 : i32
      %swap3A = arith.index_cast %add3A_136 : i32 to index
      %swap3A_137 = arith.constant 0 : index
      %swap3A_138 = tpu.vector_load %arg14[%swap3A, %swap3A_137] {strides = array<i32>} : memref<100x32xf32, #tpu.memory_space<vmem>>, vector<16xf32>,
      tpu.vector_store %arg14[%swap3A, %swap3A_137], %broadcast_in_dim3A_1 {strides = array<i32>} : memref<100x32xf32, #tpu.memory_space<vmem>>, vector<16xf32>,
      %swap3A_139 = arith.index_cast %add3A_136 : i32 to index
      %swap3A_140 = arith.constant 16 : index
      %swap3A_141 = tpu.vector_load %arg14[%swap3A_139, %swap3A_140] {strides = array<i32>} : memref<100x32xf32, #tpu.memory_space<vmem>>, vector<16xf32>,
      tpu.vector_store %arg14[%swap3A_139, %swap3A_140], %broadcast_in_dim3A_1 {strides = array<i32>} : memref<100x32xf32, #tpu.memory_space<vmem>>, vector<16xf32>,
    }
    %scan3A_15 = arith.constant 100 : i32
    %iota3A = tpu.iota {dimensions = array<i32: 0>} : vector<16xi32>
    %add3A_16 = arith.constant 0 : i32
    %add3A_17 = arith.addi %add3A, %add3A_16 : i32
    %mul3A_18 = arith.constant 128 : i32
    %mul3A_19 = arith.muli %add3A_17, %mul3A_18 : i32
    %dma_start3A = tpu.memref_slice %arg2[%mul3A_19] : memref<100000xi32, #tpu.memory_space<hbm>> -> memref<128xi32, #tpu.memory_space<hbm>>
    %dma_start3A_20 = tpu.memref_slice %arg2[%mul3A_19] : memref<100000xi32, #tpu.memory_space<hbm>> -> memref<128xi32, #tpu.memory_space<hbm>>
    tpu.enqueue_dma source(%dma_start3A_20 : memref<128xi32, #tpu.memory_space<hbm>>) target(%arg8 : memref<128xi32, #tpu.memory_space<vmem>>) target_semaphore(%arg15 : memref<!tpu.dma_semaphore, #tpu.memory_space<semaphore_mem>>)
    %add3A_21 = arith.constant 32 : i32
    %add3A_22 = arith.addi %add3A, %add3A_21 : i32
    %mul3A_23 = arith.constant 128 : i32
    %mul3A_24 = arith.muli %add3A_22, %mul3A_23 : i32
    %dma_start3A_25 = tpu.memref_slice %arg2[%mul3A_24] : memref<100000xi32, #tpu.memory_space<hbm>> -> memref<128xi32, #tpu.memory_space<hbm>>
    %dma_start3A_26 = tpu.memref_slice %arg2[%mul3A_24] : memref<100000xi32, #tpu.memory_space<hbm>> -> memref<128xi32, #tpu.memory_space<hbm>>
    tpu.enqueue_dma source(%dma_start3A_26 : memref<128xi32, #tpu.memory_space<hbm>>) target(%arg9 : memref<128xi32, #tpu.memory_space<vmem>>) target_semaphore(%arg16 : memref<!tpu.dma_semaphore, #tpu.memory_space<semaphore_mem>>)
    %scan3A_27 = arith.constant 0 : i32
    %scan3A_28 = arith.constant 12 : i32
    %scan3A_29 = arith.addi %scan3A_27, %scan3A_28 : i32
    %scan3A_30 = arith.constant 1 : i32
    scf.for %scan3A_132 = %scan3A_27 to %scan3A_29 step %scan3A_30  : i32 {
      %mul3A_133 = arith.constant 1 : i32
      %mul3A_134 = arith.muli %scan3A_132, %mul3A_133 : i32
      %add3A_135 = arith.constant 0 : i32
      %add3A_136 = arith.addi %add3A_135, %mul3A_134 : i32
      %mul3A_137 = arith.constant 2 : i32
      %mul3A_138 = arith.muli %mul3A_137, %add3A_136 : i32
      %mul3A_139 = arith.constant 32 : i32
      %mul3A_140 = arith.muli %mul3A_139, %mul3A_138 : i32
      %add3A_141 = arith.addi %add3A, %mul3A_140 : i32
      %ge3A = arith.constant 2 : i32
      %ge3A_142 = arith.cmpi sge, %mul3A_138, %ge3A : i32
      %convert_element_type3A_143 = arith.extui %ge3A_142 : i1 to i32
      %cond3A_144 = arith.constant 0 : i32
      %cond3A_145 = arith.cmpi ne, %convert_element_type3A_143, %cond3A_144 : i32
      scf.if %cond3A_145 {
        %sub3A = arith.constant 2 : i32
        %sub3A_168 = arith.subi %mul3A_138, %sub3A : i32
        %mul3A_169 = arith.constant 32 : i32
        %mul3A_170 = arith.muli %mul3A_169, %sub3A_168 : i32
        %add3A_171 = arith.addi %add3A, %mul3A_170 : i32
        %mul3A_172 = arith.constant 128 : i32
        %mul3A_173 = arith.muli %add3A_171, %mul3A_172 : i32
        %dma_wait3A_174 = arith.constant 0 : i32
        %dma_wait3A_175 = tpu.memref_slice %arg5[%dma_wait3A_174, %mul3A_173] : memref<100x100000xf32, #tpu.memory_space<hbm>> -> memref<100x128xf32, #tpu.memory_space<hbm>>
        %dma_wait3A_176 = arith.constant 0 : i32
        %dma_wait3A_177 = tpu.memref_slice %arg5[%dma_wait3A_176, %mul3A_173] : memref<100x100000xf32, #tpu.memory_space<hbm>> -> memref<100x128xf32, #tpu.memory_space<hbm>>
        tpu.wait_dma2 semaphore(%arg17 : memref<!tpu.dma_semaphore, #tpu.memory_space<semaphore_mem>>) src(%arg12 : memref<100x128xf32, #tpu.memory_space<vmem>>) dst(%dma_wait3A_177 : memref<100x128xf32, #tpu.memory_space<hbm>>)
        %get3A_178 = arith.constant 0 : i32
        %get3A_179 = arith.constant 0 : i32
        %get3A_180 = arith.index_cast %get3A_178 : i32 to index
        %get3A_181 = arith.index_cast %get3A_179 : i32 to index
        %get3A_182 = arith.constant 0 : index
        %get3A_183 = tpu.vector_load %arg11[%get3A_180, %get3A_181, %get3A_182] {strides = array<i32>} : memref<2x8x16xi32, #tpu.memory_space<vmem>>, vector<16xi32>,
        %add3A_184 = arith.constant 0 : i32
        %add3A_185 = vector.broadcast %add3A_184 : i32 to vector<16xi32>
        %add3A_186 = arith.addi %add3A_185, %iota3A : vector<16xi32>
        tpu.vector_store_idx %arg12[%get3A_183, %add3A_186], %broadcast_in_dim3A_1 : memref<100x128xf32, #tpu.memory_space<vmem>>[vector<16xi32>, vector<16xi32>], vector<16xf32>,
        %get3A_187 = arith.constant 0 : i32
        %get3A_188 = arith.constant 1 : i32
        %get3A_189 = arith.index_cast %get3A_187 : i32 to index
        %get3A_190 = arith.index_cast %get3A_188 : i32 to index
        %get3A_191 = arith.constant 0 : index
        %get3A_192 = tpu.vector_load %arg11[%get3A_189, %get3A_190, %get3A_191] {strides = array<i32>} : memref<2x8x16xi32, #tpu.memory_space<vmem>>, vector<16xi32>,
        %add3A_193 = arith.constant 16 : i32
        %add3A_194 = vector.broadcast %add3A_193 : i32 to vector<16xi32>
        %add3A_195 = arith.addi %add3A_194, %iota3A : vector<16xi32>
        tpu.vector_store_idx %arg12[%get3A_192, %add3A_195], %broadcast_in_dim3A_1 : memref<100x128xf32, #tpu.memory_space<vmem>>[vector<16xi32>, vector<16xi32>], vector<16xf32>,
        %get3A_196 = arith.constant 0 : i32
        %get3A_197 = arith.constant 2 : i32
        %get3A_198 = arith.index_cast %get3A_196 : i32 to index
        %get3A_199 = arith.index_cast %get3A_197 : i32 to index
        %get3A_200 = arith.constant 0 : index
        %get3A_201 = tpu.vector_load %arg11[%get3A_198, %get3A_199, %get3A_200] {strides = array<i32>} : memref<2x8x16xi32, #tpu.memory_space<vmem>>, vector<16xi32>,
        %add3A_202 = arith.constant 32 : i32
        %add3A_203 = vector.broadcast %add3A_202 : i32 to vector<16xi32>
        %add3A_204 = arith.addi %add3A_203, %iota3A : vector<16xi32>
        tpu.vector_store_idx %arg12[%get3A_201, %add3A_204], %broadcast_in_dim3A_1 : memref<100x128xf32, #tpu.memory_space<vmem>>[vector<16xi32>, vector<16xi32>], vector<16xf32>,
        %get3A_205 = arith.constant 0 : i32
        %get3A_206 = arith.constant 3 : i32
        %get3A_207 = arith.index_cast %get3A_205 : i32 to index
        %get3A_208 = arith.index_cast %get3A_206 : i32 to index
        %get3A_209 = arith.constant 0 : index
        %get3A_210 = tpu.vector_load %arg11[%get3A_207, %get3A_208, %get3A_209] {strides = array<i32>} : memref<2x8x16xi32, #tpu.memory_space<vmem>>, vector<16xi32>,
        %add3A_211 = arith.constant 48 : i32
        %add3A_212 = vector.broadcast %add3A_211 : i32 to vector<16xi32>
        %add3A_213 = arith.addi %add3A_212, %iota3A : vector<16xi32>
        tpu.vector_store_idx %arg12[%get3A_210, %add3A_213], %broadcast_in_dim3A_1 : memref<100x128xf32, #tpu.memory_space<vmem>>[vector<16xi32>, vector<16xi32>], vector<16xf32>,
        %get3A_214 = arith.constant 0 : i32
        %get3A_215 = arith.constant 4 : i32
        %get3A_216 = arith.index_cast %get3A_214 : i32 to index
        %get3A_217 = arith.index_cast %get3A_215 : i32 to index
        %get3A_218 = arith.constant 0 : index
        %get3A_219 = tpu.vector_load %arg11[%get3A_216, %get3A_217, %get3A_218] {strides = array<i32>} : memref<2x8x16xi32, #tpu.memory_space<vmem>>, vector<16xi32>,
        %add3A_220 = arith.constant 64 : i32
        %add3A_221 = vector.broadcast %add3A_220 : i32 to vector<16xi32>
        %add3A_222 = arith.addi %add3A_221, %iota3A : vector<16xi32>
        tpu.vector_store_idx %arg12[%get3A_219, %add3A_222], %broadcast_in_dim3A_1 : memref<100x128xf32, #tpu.memory_space<vmem>>[vector<16xi32>, vector<16xi32>], vector<16xf32>,
        %get3A_223 = arith.constant 0 : i32
        %get3A_224 = arith.constant 5 : i32
        %get3A_225 = arith.index_cast %get3A_223 : i32 to index
        %get3A_226 = arith.index_cast %get3A_224 : i32 to index
        %get3A_227 = arith.constant 0 : index
        %get3A_228 = tpu.vector_load %arg11[%get3A_225, %get3A_226, %get3A_227] {strides = array<i32>} : memref<2x8x16xi32, #tpu.memory_space<vmem>>, vector<16xi32>,
        %add3A_229 = arith.constant 80 : i32
        %add3A_230 = vector.broadcast %add3A_229 : i32 to vector<16xi32>
        %add3A_231 = arith.addi %add3A_230, %iota3A : vector<16xi32>
        tpu.vector_store_idx %arg12[%get3A_228, %add3A_231], %broadcast_in_dim3A_1 : memref<100x128xf32, #tpu.memory_space<vmem>>[vector<16xi32>, vector<16xi32>], vector<16xf32>,
        %get3A_232 = arith.constant 0 : i32
        %get3A_233 = arith.constant 6 : i32
        %get3A_234 = arith.index_cast %get3A_232 : i32 to index
        %get3A_235 = arith.index_cast %get3A_233 : i32 to index
        %get3A_236 = arith.constant 0 : index
        %get3A_237 = tpu.vector_load %arg11[%get3A_234, %get3A_235, %get3A_236] {strides = array<i32>} : memref<2x8x16xi32, #tpu.memory_space<vmem>>, vector<16xi32>,
        %add3A_238 = arith.constant 96 : i32
        %add3A_239 = vector.broadcast %add3A_238 : i32 to vector<16xi32>
        %add3A_240 = arith.addi %add3A_239, %iota3A : vector<16xi32>
        tpu.vector_store_idx %arg12[%get3A_237, %add3A_240], %broadcast_in_dim3A_1 : memref<100x128xf32, #tpu.memory_space<vmem>>[vector<16xi32>, vector<16xi32>], vector<16xf32>,
        %get3A_241 = arith.constant 0 : i32
        %get3A_242 = arith.constant 7 : i32
        %get3A_243 = arith.index_cast %get3A_241 : i32 to index
        %get3A_244 = arith.index_cast %get3A_242 : i32 to index
        %get3A_245 = arith.constant 0 : index
        %get3A_246 = tpu.vector_load %arg11[%get3A_243, %get3A_244, %get3A_245] {strides = array<i32>} : memref<2x8x16xi32, #tpu.memory_space<vmem>>, vector<16xi32>,
        %add3A_247 = arith.constant 112 : i32
        %add3A_248 = vector.broadcast %add3A_247 : i32 to vector<16xi32>
        %add3A_249 = arith.addi %add3A_248, %iota3A : vector<16xi32>
        tpu.vector_store_idx %arg12[%get3A_246, %add3A_249], %broadcast_in_dim3A_1 : memref<100x128xf32, #tpu.memory_space<vmem>>[vector<16xi32>, vector<16xi32>], vector<16xf32>,
      } else {
      }
      %lt3A_146 = arith.constant 781 : i32
      %lt3A_147 = arith.cmpi slt, %add3A_141, %lt3A_146 : i32
      %convert_element_type3A_148 = arith.extui %lt3A_147 : i1 to i32
      %cond3A_149 = arith.constant 0 : i32
      %cond3A_150 = arith.cmpi ne, %convert_element_type3A_148, %cond3A_149 : i32
      scf.if %cond3A_150 {
        %mul3A_168 = arith.constant 32 : i32
        %mul3A_169 = arith.muli %mul3A_168, %mul3A_138 : i32
        %add3A_170 = arith.addi %add3A, %mul3A_169 : i32
        %mul3A_171 = arith.constant 128 : i32
        %mul3A_172 = arith.muli %add3A_170, %mul3A_171 : i32
        %dma_wait3A_173 = tpu.memref_slice %arg2[%mul3A_172] : memref<100000xi32, #tpu.memory_space<hbm>> -> memref<128xi32, #tpu.memory_space<hbm>>
        %dma_wait3A_174 = tpu.memref_slice %arg2[%mul3A_172] : memref<100000xi32, #tpu.memory_space<hbm>> -> memref<128xi32, #tpu.memory_space<hbm>>
        tpu.wait_dma2 semaphore(%arg15 : memref<!tpu.dma_semaphore, #tpu.memory_space<semaphore_mem>>) src(%dma_wait3A_174 : memref<128xi32, #tpu.memory_space<hbm>>) dst(%arg8 : memref<128xi32, #tpu.memory_space<vmem>>)
        %get3A_175 = arith.constant 0 : index
        %get3A_176 = tpu.vector_load %arg8[%get3A_175] {strides = array<i32>} : memref<128xi32, #tpu.memory_space<vmem>>, vector<16xi32>,
        %gather3A = tpu.vector_load_idx %arg6[%get3A_176] : memref<128xi32, #tpu.memory_space<vmem>>[vector<16xi32>], vector<16xi32>,
        %gather3A_177 = tpu.vector_load_idx %arg7[%gather3A, %gather3A] : memref<100x100xf32, #tpu.memory_space<vmem>>[vector<16xi32>, vector<16xi32>], vector<16xf32>,
        %add3A_178 = arith.constant 0 : i32
        %add3A_179 = vector.broadcast %add3A_178 : i32 to vector<16xi32>
        %add3A_180 = arith.addi %add3A_179, %iota3A : vector<16xi32>
        tpu.vector_store_idx %arg12[%gather3A, %add3A_180], %gather3A_177 : memref<100x128xf32, #tpu.memory_space<vmem>>[vector<16xi32>, vector<16xi32>], vector<16xf32>,
        %swap3A = arith.constant 0 : i32
        %swap3A_181 = arith.constant 0 : i32
        %swap3A_182 = arith.index_cast %swap3A : i32 to index
        %swap3A_183 = arith.index_cast %swap3A_181 : i32 to index
        %swap3A_184 = arith.constant 0 : index
        %swap3A_185 = tpu.vector_load %arg11[%swap3A_182, %swap3A_183, %swap3A_184] {strides = array<i32>} : memref<2x8x16xi32, #tpu.memory_space<vmem>>, vector<16xi32>,
        tpu.vector_store %arg11[%swap3A_182, %swap3A_183, %swap3A_184], %gather3A {strides = array<i32>} : memref<2x8x16xi32, #tpu.memory_space<vmem>>, vector<16xi32>,
        %get3A_186 = arith.constant 16 : index
        %get3A_187 = tpu.vector_load %arg8[%get3A_186] {strides = array<i32>} : memref<128xi32, #tpu.memory_space<vmem>>, vector<16xi32>,
        %gather3A_188 = tpu.vector_load_idx %arg6[%get3A_187] : memref<128xi32, #tpu.memory_space<vmem>>[vector<16xi32>], vector<16xi32>,
        %gather3A_189 = tpu.vector_load_idx %arg7[%gather3A_188, %gather3A_188] : memref<100x100xf32, #tpu.memory_space<vmem>>[vector<16xi32>, vector<16xi32>], vector<16xf32>,
        %add3A_190 = arith.constant 16 : i32
        %add3A_191 = vector.broadcast %add3A_190 : i32 to vector<16xi32>
        %add3A_192 = arith.addi %add3A_191, %iota3A : vector<16xi32>
        tpu.vector_store_idx %arg12[%gather3A_188, %add3A_192], %gather3A_189 : memref<100x128xf32, #tpu.memory_space<vmem>>[vector<16xi32>, vector<16xi32>], vector<16xf32>,
        %swap3A_193 = arith.constant 0 : i32
        %swap3A_194 = arith.constant 1 : i32
        %swap3A_195 = arith.index_cast %swap3A_193 : i32 to index
        %swap3A_196 = arith.index_cast %swap3A_194 : i32 to index
        %swap3A_197 = arith.constant 0 : index
        %swap3A_198 = tpu.vector_load %arg11[%swap3A_195, %swap3A_196, %swap3A_197] {strides = array<i32>} : memref<2x8x16xi32, #tpu.memory_space<vmem>>, vector<16xi32>,
        tpu.vector_store %arg11[%swap3A_195, %swap3A_196, %swap3A_197], %gather3A_188 {strides = array<i32>} : memref<2x8x16xi32, #tpu.memory_space<vmem>>, vector<16xi32>,
        %get3A_199 = arith.constant 32 : index
        %get3A_200 = tpu.vector_load %arg8[%get3A_199] {strides = array<i32>} : memref<128xi32, #tpu.memory_space<vmem>>, vector<16xi32>,
        %gather3A_201 = tpu.vector_load_idx %arg6[%get3A_200] : memref<128xi32, #tpu.memory_space<vmem>>[vector<16xi32>], vector<16xi32>,
        %gather3A_202 = tpu.vector_load_idx %arg7[%gather3A_201, %gather3A_201] : memref<100x100xf32, #tpu.memory_space<vmem>>[vector<16xi32>, vector<16xi32>], vector<16xf32>,
        %add3A_203 = arith.constant 32 : i32
        %add3A_204 = vector.broadcast %add3A_203 : i32 to vector<16xi32>
        %add3A_205 = arith.addi %add3A_204, %iota3A : vector<16xi32>
        tpu.vector_store_idx %arg12[%gather3A_201, %add3A_205], %gather3A_202 : memref<100x128xf32, #tpu.memory_space<vmem>>[vector<16xi32>, vector<16xi32>], vector<16xf32>,
        %swap3A_206 = arith.constant 0 : i32
        %swap3A_207 = arith.constant 2 : i32
        %swap3A_208 = arith.index_cast %swap3A_206 : i32 to index
        %swap3A_209 = arith.index_cast %swap3A_207 : i32 to index
        %swap3A_210 = arith.constant 0 : index
        %swap3A_211 = tpu.vector_load %arg11[%swap3A_208, %swap3A_209, %swap3A_210] {strides = array<i32>} : memref<2x8x16xi32, #tpu.memory_space<vmem>>, vector<16xi32>,
        tpu.vector_store %arg11[%swap3A_208, %swap3A_209, %swap3A_210], %gather3A_201 {strides = array<i32>} : memref<2x8x16xi32, #tpu.memory_space<vmem>>, vector<16xi32>,
        %get3A_212 = arith.constant 48 : index
        %get3A_213 = tpu.vector_load %arg8[%get3A_212] {strides = array<i32>} : memref<128xi32, #tpu.memory_space<vmem>>, vector<16xi32>,
        %gather3A_214 = tpu.vector_load_idx %arg6[%get3A_213] : memref<128xi32, #tpu.memory_space<vmem>>[vector<16xi32>], vector<16xi32>,
        %gather3A_215 = tpu.vector_load_idx %arg7[%gather3A_214, %gather3A_214] : memref<100x100xf32, #tpu.memory_space<vmem>>[vector<16xi32>, vector<16xi32>], vector<16xf32>,
        %add3A_216 = arith.constant 48 : i32
        %add3A_217 = vector.broadcast %add3A_216 : i32 to vector<16xi32>
        %add3A_218 = arith.addi %add3A_217, %iota3A : vector<16xi32>
        tpu.vector_store_idx %arg12[%gather3A_214, %add3A_218], %gather3A_215 : memref<100x128xf32, #tpu.memory_space<vmem>>[vector<16xi32>, vector<16xi32>], vector<16xf32>,
        %swap3A_219 = arith.constant 0 : i32
        %swap3A_220 = arith.constant 3 : i32
        %swap3A_221 = arith.index_cast %swap3A_219 : i32 to index
        %swap3A_222 = arith.index_cast %swap3A_220 : i32 to index
        %swap3A_223 = arith.constant 0 : index
        %swap3A_224 = tpu.vector_load %arg11[%swap3A_221, %swap3A_222, %swap3A_223] {strides = array<i32>} : memref<2x8x16xi32, #tpu.memory_space<vmem>>, vector<16xi32>,
        tpu.vector_store %arg11[%swap3A_221, %swap3A_222, %swap3A_223], %gather3A_214 {strides = array<i32>} : memref<2x8x16xi32, #tpu.memory_space<vmem>>, vector<16xi32>,
        %get3A_225 = arith.constant 64 : index
        %get3A_226 = tpu.vector_load %arg8[%get3A_225] {strides = array<i32>} : memref<128xi32, #tpu.memory_space<vmem>>, vector<16xi32>,
        %gather3A_227 = tpu.vector_load_idx %arg6[%get3A_226] : memref<128xi32, #tpu.memory_space<vmem>>[vector<16xi32>], vector<16xi32>,
        %gather3A_228 = tpu.vector_load_idx %arg7[%gather3A_227, %gather3A_227] : memref<100x100xf32, #tpu.memory_space<vmem>>[vector<16xi32>, vector<16xi32>], vector<16xf32>,
        %add3A_229 = arith.constant 64 : i32
        %add3A_230 = vector.broadcast %add3A_229 : i32 to vector<16xi32>
        %add3A_231 = arith.addi %add3A_230, %iota3A : vector<16xi32>
        tpu.vector_store_idx %arg12[%gather3A_227, %add3A_231], %gather3A_228 : memref<100x128xf32, #tpu.memory_space<vmem>>[vector<16xi32>, vector<16xi32>], vector<16xf32>,
        %swap3A_232 = arith.constant 0 : i32
        %swap3A_233 = arith.constant 4 : i32
        %swap3A_234 = arith.index_cast %swap3A_232 : i32 to index
        %swap3A_235 = arith.index_cast %swap3A_233 : i32 to index
        %swap3A_236 = arith.constant 0 : index
        %swap3A_237 = tpu.vector_load %arg11[%swap3A_234, %swap3A_235, %swap3A_236] {strides = array<i32>} : memref<2x8x16xi32, #tpu.memory_space<vmem>>, vector<16xi32>,
        tpu.vector_store %arg11[%swap3A_234, %swap3A_235, %swap3A_236], %gather3A_227 {strides = array<i32>} : memref<2x8x16xi32, #tpu.memory_space<vmem>>, vector<16xi32>,
        %get3A_238 = arith.constant 80 : index
        %get3A_239 = tpu.vector_load %arg8[%get3A_238] {strides = array<i32>} : memref<128xi32, #tpu.memory_space<vmem>>, vector<16xi32>,
        %gather3A_240 = tpu.vector_load_idx %arg6[%get3A_239] : memref<128xi32, #tpu.memory_space<vmem>>[vector<16xi32>], vector<16xi32>,
        %gather3A_241 = tpu.vector_load_idx %arg7[%gather3A_240, %gather3A_240] : memref<100x100xf32, #tpu.memory_space<vmem>>[vector<16xi32>, vector<16xi32>], vector<16xf32>,
        %add3A_242 = arith.constant 80 : i32
        %add3A_243 = vector.broadcast %add3A_242 : i32 to vector<16xi32>
        %add3A_244 = arith.addi %add3A_243, %iota3A : vector<16xi32>
        tpu.vector_store_idx %arg12[%gather3A_240, %add3A_244], %gather3A_241 : memref<100x128xf32, #tpu.memory_space<vmem>>[vector<16xi32>, vector<16xi32>], vector<16xf32>,
        %swap3A_245 = arith.constant 0 : i32
        %swap3A_246 = arith.constant 5 : i32
        %swap3A_247 = arith.index_cast %swap3A_245 : i32 to index
        %swap3A_248 = arith.index_cast %swap3A_246 : i32 to index
        %swap3A_249 = arith.constant 0 : index
        %swap3A_250 = tpu.vector_load %arg11[%swap3A_247, %swap3A_248, %swap3A_249] {strides = array<i32>} : memref<2x8x16xi32, #tpu.memory_space<vmem>>, vector<16xi32>,
        tpu.vector_store %arg11[%swap3A_247, %swap3A_248, %swap3A_249], %gather3A_240 {strides = array<i32>} : memref<2x8x16xi32, #tpu.memory_space<vmem>>, vector<16xi32>,
        %get3A_251 = arith.constant 96 : index
        %get3A_252 = tpu.vector_load %arg8[%get3A_251] {strides = array<i32>} : memref<128xi32, #tpu.memory_space<vmem>>, vector<16xi32>,
        %gather3A_253 = tpu.vector_load_idx %arg6[%get3A_252] : memref<128xi32, #tpu.memory_space<vmem>>[vector<16xi32>], vector<16xi32>,
        %gather3A_254 = tpu.vector_load_idx %arg7[%gather3A_253, %gather3A_253] : memref<100x100xf32, #tpu.memory_space<vmem>>[vector<16xi32>, vector<16xi32>], vector<16xf32>,
        %add3A_255 = arith.constant 96 : i32
        %add3A_256 = vector.broadcast %add3A_255 : i32 to vector<16xi32>
        %add3A_257 = arith.addi %add3A_256, %iota3A : vector<16xi32>
        tpu.vector_store_idx %arg12[%gather3A_253, %add3A_257], %gather3A_254 : memref<100x128xf32, #tpu.memory_space<vmem>>[vector<16xi32>, vector<16xi32>], vector<16xf32>,
        %swap3A_258 = arith.constant 0 : i32
        %swap3A_259 = arith.constant 6 : i32
        %swap3A_260 = arith.index_cast %swap3A_258 : i32 to index
        %swap3A_261 = arith.index_cast %swap3A_259 : i32 to index
        %swap3A_262 = arith.constant 0 : index
        %swap3A_263 = tpu.vector_load %arg11[%swap3A_260, %swap3A_261, %swap3A_262] {strides = array<i32>} : memref<2x8x16xi32, #tpu.memory_space<vmem>>, vector<16xi32>,
        tpu.vector_store %arg11[%swap3A_260, %swap3A_261, %swap3A_262], %gather3A_253 {strides = array<i32>} : memref<2x8x16xi32, #tpu.memory_space<vmem>>, vector<16xi32>,
        %get3A_264 = arith.constant 112 : index
        %get3A_265 = tpu.vector_load %arg8[%get3A_264] {strides = array<i32>} : memref<128xi32, #tpu.memory_space<vmem>>, vector<16xi32>,
        %gather3A_266 = tpu.vector_load_idx %arg6[%get3A_265] : memref<128xi32, #tpu.memory_space<vmem>>[vector<16xi32>], vector<16xi32>,
        %gather3A_267 = tpu.vector_load_idx %arg7[%gather3A_266, %gather3A_266] : memref<100x100xf32, #tpu.memory_space<vmem>>[vector<16xi32>, vector<16xi32>], vector<16xf32>,
        %add3A_268 = arith.constant 112 : i32
        %add3A_269 = vector.broadcast %add3A_268 : i32 to vector<16xi32>
        %add3A_270 = arith.addi %add3A_269, %iota3A : vector<16xi32>
        tpu.vector_store_idx %arg12[%gather3A_266, %add3A_270], %gather3A_267 : memref<100x128xf32, #tpu.memory_space<vmem>>[vector<16xi32>, vector<16xi32>], vector<16xf32>,
        %swap3A_271 = arith.constant 0 : i32
        %swap3A_272 = arith.constant 7 : i32
        %swap3A_273 = arith.index_cast %swap3A_271 : i32 to index
        %swap3A_274 = arith.index_cast %swap3A_272 : i32 to index
        %swap3A_275 = arith.constant 0 : index
        %swap3A_276 = tpu.vector_load %arg11[%swap3A_273, %swap3A_274, %swap3A_275] {strides = array<i32>} : memref<2x8x16xi32, #tpu.memory_space<vmem>>, vector<16xi32>,
        tpu.vector_store %arg11[%swap3A_273, %swap3A_274, %swap3A_275], %gather3A_266 {strides = array<i32>} : memref<2x8x16xi32, #tpu.memory_space<vmem>>, vector<16xi32>,
        %mul3A_277 = arith.constant 32 : i32
        %mul3A_278 = arith.muli %mul3A_277, %mul3A_138 : i32
        %add3A_279 = arith.addi %add3A, %mul3A_278 : i32
        %mul3A_280 = arith.constant 128 : i32
        %mul3A_281 = arith.muli %add3A_279, %mul3A_280 : i32
        %dma_start3A_282 = arith.constant 0 : i32
        %dma_start3A_283 = tpu.memref_slice %arg5[%dma_start3A_282, %mul3A_281] : memref<100x100000xf32, #tpu.memory_space<hbm>> -> memref<100x128xf32, #tpu.memory_space<hbm>>
        %dma_start3A_284 = arith.constant 0 : i32
        %dma_start3A_285 = tpu.memref_slice %arg5[%dma_start3A_284, %mul3A_281] : memref<100x100000xf32, #tpu.memory_space<hbm>> -> memref<100x128xf32, #tpu.memory_space<hbm>>
        tpu.enqueue_dma source(%arg12 : memref<100x128xf32, #tpu.memory_space<vmem>>) target(%dma_start3A_285 : memref<100x128xf32, #tpu.memory_space<hbm>>) target_semaphore(%arg17 : memref<!tpu.dma_semaphore, #tpu.memory_space<semaphore_mem>>)
        %add3A_286 = arith.constant 64 : i32
        %add3A_287 = arith.addi %add3A_141, %add3A_286 : i32
        %lt3A_288 = arith.constant 781 : i32
        %lt3A_289 = arith.cmpi slt, %add3A_287, %lt3A_288 : i32
        %convert_element_type3A_290 = arith.extui %lt3A_289 : i1 to i32
        %cond3A_291 = arith.constant 0 : i32
        %cond3A_292 = arith.cmpi ne, %convert_element_type3A_290, %cond3A_291 : i32
        scf.if %cond3A_292 {
          %add3A_293 = arith.constant 2 : i32
          %add3A_294 = arith.addi %mul3A_138, %add3A_293 : i32
          %mul3A_295 = arith.constant 32 : i32
          %mul3A_296 = arith.muli %mul3A_295, %add3A_294 : i32
          %add3A_297 = arith.addi %add3A, %mul3A_296 : i32
          %mul3A_298 = arith.constant 128 : i32
          %mul3A_299 = arith.muli %add3A_297, %mul3A_298 : i32
          %dma_start3A_300 = tpu.memref_slice %arg2[%mul3A_299] : memref<100000xi32, #tpu.memory_space<hbm>> -> memref<128xi32, #tpu.memory_space<hbm>>
          %dma_start3A_301 = tpu.memref_slice %arg2[%mul3A_299] : memref<100000xi32, #tpu.memory_space<hbm>> -> memref<128xi32, #tpu.memory_space<hbm>>
          tpu.enqueue_dma source(%dma_start3A_301 : memref<128xi32, #tpu.memory_space<hbm>>) target(%arg8 : memref<128xi32, #tpu.memory_space<vmem>>) target_semaphore(%arg15 : memref<!tpu.dma_semaphore, #tpu.memory_space<semaphore_mem>>)
        } else {
        }
      } else {
      }
      %mul3A_151 = arith.constant 2 : i32
      %mul3A_152 = arith.muli %mul3A_151, %add3A_136 : i32
      %add3A_153 = arith.constant 1 : i32
      %add3A_154 = arith.addi %mul3A_152, %add3A_153 : i32
      %mul3A_155 = arith.constant 32 : i32
      %mul3A_156 = arith.muli %mul3A_155, %add3A_154 : i32
      %add3A_157 = arith.addi %add3A, %mul3A_156 : i32
      %ge3A_158 = arith.constant 2 : i32
      %ge3A_159 = arith.cmpi sge, %add3A_154, %ge3A_158 : i32
      %convert_element_type3A_160 = arith.extui %ge3A_159 : i1 to i32
      %cond3A_161 = arith.constant 0 : i32
      %cond3A_162 = arith.cmpi ne, %convert_element_type3A_160, %cond3A_161 : i32
      scf.if %cond3A_162 {
        %sub3A = arith.constant 2 : i32
        %sub3A_168 = arith.subi %add3A_154, %sub3A : i32
        %mul3A_169 = arith.constant 32 : i32
        %mul3A_170 = arith.muli %mul3A_169, %sub3A_168 : i32
        %add3A_171 = arith.addi %add3A, %mul3A_170 : i32
        %mul3A_172 = arith.constant 128 : i32
        %mul3A_173 = arith.muli %add3A_171, %mul3A_172 : i32
        %dma_wait3A_174 = arith.constant 0 : i32
        %dma_wait3A_175 = tpu.memref_slice %arg5[%dma_wait3A_174, %mul3A_173] : memref<100x100000xf32, #tpu.memory_space<hbm>> -> memref<100x128xf32, #tpu.memory_space<hbm>>
        %dma_wait3A_176 = arith.constant 0 : i32
        %dma_wait3A_177 = tpu.memref_slice %arg5[%dma_wait3A_176, %mul3A_173] : memref<100x100000xf32, #tpu.memory_space<hbm>> -> memref<100x128xf32, #tpu.memory_space<hbm>>
        tpu.wait_dma2 semaphore(%arg18 : memref<!tpu.dma_semaphore, #tpu.memory_space<semaphore_mem>>) src(%arg13 : memref<100x128xf32, #tpu.memory_space<vmem>>) dst(%dma_wait3A_177 : memref<100x128xf32, #tpu.memory_space<hbm>>)
        %get3A_178 = arith.constant 1 : i32
        %get3A_179 = arith.constant 0 : i32
        %get3A_180 = arith.index_cast %get3A_178 : i32 to index
        %get3A_181 = arith.index_cast %get3A_179 : i32 to index
        %get3A_182 = arith.constant 0 : index
        %get3A_183 = tpu.vector_load %arg11[%get3A_180, %get3A_181, %get3A_182] {strides = array<i32>} : memref<2x8x16xi32, #tpu.memory_space<vmem>>, vector<16xi32>,
        %add3A_184 = arith.constant 0 : i32
        %add3A_185 = vector.broadcast %add3A_184 : i32 to vector<16xi32>
        %add3A_186 = arith.addi %add3A_185, %iota3A : vector<16xi32>
        tpu.vector_store_idx %arg13[%get3A_183, %add3A_186], %broadcast_in_dim3A_1 : memref<100x128xf32, #tpu.memory_space<vmem>>[vector<16xi32>, vector<16xi32>], vector<16xf32>,
        %get3A_187 = arith.constant 1 : i32
        %get3A_188 = arith.constant 1 : i32
        %get3A_189 = arith.index_cast %get3A_187 : i32 to index
        %get3A_190 = arith.index_cast %get3A_188 : i32 to index
        %get3A_191 = arith.constant 0 : index
        %get3A_192 = tpu.vector_load %arg11[%get3A_189, %get3A_190, %get3A_191] {strides = array<i32>} : memref<2x8x16xi32, #tpu.memory_space<vmem>>, vector<16xi32>,
        %add3A_193 = arith.constant 16 : i32
        %add3A_194 = vector.broadcast %add3A_193 : i32 to vector<16xi32>
        %add3A_195 = arith.addi %add3A_194, %iota3A : vector<16xi32>
        tpu.vector_store_idx %arg13[%get3A_192, %add3A_195], %broadcast_in_dim3A_1 : memref<100x128xf32, #tpu.memory_space<vmem>>[vector<16xi32>, vector<16xi32>], vector<16xf32>,
        %get3A_196 = arith.constant 1 : i32
        %get3A_197 = arith.constant 2 : i32
        %get3A_198 = arith.index_cast %get3A_196 : i32 to index
        %get3A_199 = arith.index_cast %get3A_197 : i32 to index
        %get3A_200 = arith.constant 0 : index
        %get3A_201 = tpu.vector_load %arg11[%get3A_198, %get3A_199, %get3A_200] {strides = array<i32>} : memref<2x8x16xi32, #tpu.memory_space<vmem>>, vector<16xi32>,
        %add3A_202 = arith.constant 32 : i32
        %add3A_203 = vector.broadcast %add3A_202 : i32 to vector<16xi32>
        %add3A_204 = arith.addi %add3A_203, %iota3A : vector<16xi32>
        tpu.vector_store_idx %arg13[%get3A_201, %add3A_204], %broadcast_in_dim3A_1 : memref<100x128xf32, #tpu.memory_space<vmem>>[vector<16xi32>, vector<16xi32>], vector<16xf32>,
        %get3A_205 = arith.constant 1 : i32
        %get3A_206 = arith.constant 3 : i32
        %get3A_207 = arith.index_cast %get3A_205 : i32 to index
        %get3A_208 = arith.index_cast %get3A_206 : i32 to index
        %get3A_209 = arith.constant 0 : index
        %get3A_210 = tpu.vector_load %arg11[%get3A_207, %get3A_208, %get3A_209] {strides = array<i32>} : memref<2x8x16xi32, #tpu.memory_space<vmem>>, vector<16xi32>,
        %add3A_211 = arith.constant 48 : i32
        %add3A_212 = vector.broadcast %add3A_211 : i32 to vector<16xi32>
        %add3A_213 = arith.addi %add3A_212, %iota3A : vector<16xi32>
        tpu.vector_store_idx %arg13[%get3A_210, %add3A_213], %broadcast_in_dim3A_1 : memref<100x128xf32, #tpu.memory_space<vmem>>[vector<16xi32>, vector<16xi32>], vector<16xf32>,
        %get3A_214 = arith.constant 1 : i32
        %get3A_215 = arith.constant 4 : i32
        %get3A_216 = arith.index_cast %get3A_214 : i32 to index
        %get3A_217 = arith.index_cast %get3A_215 : i32 to index
        %get3A_218 = arith.constant 0 : index
        %get3A_219 = tpu.vector_load %arg11[%get3A_216, %get3A_217, %get3A_218] {strides = array<i32>} : memref<2x8x16xi32, #tpu.memory_space<vmem>>, vector<16xi32>,
        %add3A_220 = arith.constant 64 : i32
        %add3A_221 = vector.broadcast %add3A_220 : i32 to vector<16xi32>
        %add3A_222 = arith.addi %add3A_221, %iota3A : vector<16xi32>
        tpu.vector_store_idx %arg13[%get3A_219, %add3A_222], %broadcast_in_dim3A_1 : memref<100x128xf32, #tpu.memory_space<vmem>>[vector<16xi32>, vector<16xi32>], vector<16xf32>,
        %get3A_223 = arith.constant 1 : i32
        %get3A_224 = arith.constant 5 : i32
        %get3A_225 = arith.index_cast %get3A_223 : i32 to index
        %get3A_226 = arith.index_cast %get3A_224 : i32 to index
        %get3A_227 = arith.constant 0 : index
        %get3A_228 = tpu.vector_load %arg11[%get3A_225, %get3A_226, %get3A_227] {strides = array<i32>} : memref<2x8x16xi32, #tpu.memory_space<vmem>>, vector<16xi32>,
        %add3A_229 = arith.constant 80 : i32
        %add3A_230 = vector.broadcast %add3A_229 : i32 to vector<16xi32>
        %add3A_231 = arith.addi %add3A_230, %iota3A : vector<16xi32>
        tpu.vector_store_idx %arg13[%get3A_228, %add3A_231], %broadcast_in_dim3A_1 : memref<100x128xf32, #tpu.memory_space<vmem>>[vector<16xi32>, vector<16xi32>], vector<16xf32>,
        %get3A_232 = arith.constant 1 : i32
        %get3A_233 = arith.constant 6 : i32
        %get3A_234 = arith.index_cast %get3A_232 : i32 to index
        %get3A_235 = arith.index_cast %get3A_233 : i32 to index
        %get3A_236 = arith.constant 0 : index
        %get3A_237 = tpu.vector_load %arg11[%get3A_234, %get3A_235, %get3A_236] {strides = array<i32>} : memref<2x8x16xi32, #tpu.memory_space<vmem>>, vector<16xi32>,
        %add3A_238 = arith.constant 96 : i32
        %add3A_239 = vector.broadcast %add3A_238 : i32 to vector<16xi32>
        %add3A_240 = arith.addi %add3A_239, %iota3A : vector<16xi32>
        tpu.vector_store_idx %arg13[%get3A_237, %add3A_240], %broadcast_in_dim3A_1 : memref<100x128xf32, #tpu.memory_space<vmem>>[vector<16xi32>, vector<16xi32>], vector<16xf32>,
        %get3A_241 = arith.constant 1 : i32
        %get3A_242 = arith.constant 7 : i32
        %get3A_243 = arith.index_cast %get3A_241 : i32 to index
        %get3A_244 = arith.index_cast %get3A_242 : i32 to index
        %get3A_245 = arith.constant 0 : index
        %get3A_246 = tpu.vector_load %arg11[%get3A_243, %get3A_244, %get3A_245] {strides = array<i32>} : memref<2x8x16xi32, #tpu.memory_space<vmem>>, vector<16xi32>,
        %add3A_247 = arith.constant 112 : i32
        %add3A_248 = vector.broadcast %add3A_247 : i32 to vector<16xi32>
        %add3A_249 = arith.addi %add3A_248, %iota3A : vector<16xi32>
        tpu.vector_store_idx %arg13[%get3A_246, %add3A_249], %broadcast_in_dim3A_1 : memref<100x128xf32, #tpu.memory_space<vmem>>[vector<16xi32>, vector<16xi32>], vector<16xf32>,
      } else {
      }
      %lt3A_163 = arith.constant 781 : i32
      %lt3A_164 = arith.cmpi slt, %add3A_157, %lt3A_163 : i32
      %convert_element_type3A_165 = arith.extui %lt3A_164 : i1 to i32
      %cond3A_166 = arith.constant 0 : i32
      %cond3A_167 = arith.cmpi ne, %convert_element_type3A_165, %cond3A_166 : i32
      scf.if %cond3A_167 {
        %mul3A_168 = arith.constant 32 : i32
        %mul3A_169 = arith.muli %mul3A_168, %add3A_154 : i32
        %add3A_170 = arith.addi %add3A, %mul3A_169 : i32
        %mul3A_171 = arith.constant 128 : i32
        %mul3A_172 = arith.muli %add3A_170, %mul3A_171 : i32
        %dma_wait3A_173 = tpu.memref_slice %arg2[%mul3A_172] : memref<100000xi32, #tpu.memory_space<hbm>> -> memref<128xi32, #tpu.memory_space<hbm>>
        %dma_wait3A_174 = tpu.memref_slice %arg2[%mul3A_172] : memref<100000xi32, #tpu.memory_space<hbm>> -> memref<128xi32, #tpu.memory_space<hbm>>
        tpu.wait_dma2 semaphore(%arg16 : memref<!tpu.dma_semaphore, #tpu.memory_space<semaphore_mem>>) src(%dma_wait3A_174 : memref<128xi32, #tpu.memory_space<hbm>>) dst(%arg9 : memref<128xi32, #tpu.memory_space<vmem>>)
        %get3A_175 = arith.constant 0 : index
        %get3A_176 = tpu.vector_load %arg9[%get3A_175] {strides = array<i32>} : memref<128xi32, #tpu.memory_space<vmem>>, vector<16xi32>,
        %gather3A = tpu.vector_load_idx %arg6[%get3A_176] : memref<128xi32, #tpu.memory_space<vmem>>[vector<16xi32>], vector<16xi32>,
        %gather3A_177 = tpu.vector_load_idx %arg7[%gather3A, %gather3A] : memref<100x100xf32, #tpu.memory_space<vmem>>[vector<16xi32>, vector<16xi32>], vector<16xf32>,
        %add3A_178 = arith.constant 0 : i32
        %add3A_179 = vector.broadcast %add3A_178 : i32 to vector<16xi32>
        %add3A_180 = arith.addi %add3A_179, %iota3A : vector<16xi32>
        tpu.vector_store_idx %arg13[%gather3A, %add3A_180], %gather3A_177 : memref<100x128xf32, #tpu.memory_space<vmem>>[vector<16xi32>, vector<16xi32>], vector<16xf32>,
        %swap3A = arith.constant 1 : i32
        %swap3A_181 = arith.constant 0 : i32
        %swap3A_182 = arith.index_cast %swap3A : i32 to index
        %swap3A_183 = arith.index_cast %swap3A_181 : i32 to index
        %swap3A_184 = arith.constant 0 : index
        %swap3A_185 = tpu.vector_load %arg11[%swap3A_182, %swap3A_183, %swap3A_184] {strides = array<i32>} : memref<2x8x16xi32, #tpu.memory_space<vmem>>, vector<16xi32>,
        tpu.vector_store %arg11[%swap3A_182, %swap3A_183, %swap3A_184], %gather3A {strides = array<i32>} : memref<2x8x16xi32, #tpu.memory_space<vmem>>, vector<16xi32>,
        %get3A_186 = arith.constant 16 : index
        %get3A_187 = tpu.vector_load %arg9[%get3A_186] {strides = array<i32>} : memref<128xi32, #tpu.memory_space<vmem>>, vector<16xi32>,
        %gather3A_188 = tpu.vector_load_idx %arg6[%get3A_187] : memref<128xi32, #tpu.memory_space<vmem>>[vector<16xi32>], vector<16xi32>,
        %gather3A_189 = tpu.vector_load_idx %arg7[%gather3A_188, %gather3A_188] : memref<100x100xf32, #tpu.memory_space<vmem>>[vector<16xi32>, vector<16xi32>], vector<16xf32>,
        %add3A_190 = arith.constant 16 : i32
        %add3A_191 = vector.broadcast %add3A_190 : i32 to vector<16xi32>
        %add3A_192 = arith.addi %add3A_191, %iota3A : vector<16xi32>
        tpu.vector_store_idx %arg13[%gather3A_188, %add3A_192], %gather3A_189 : memref<100x128xf32, #tpu.memory_space<vmem>>[vector<16xi32>, vector<16xi32>], vector<16xf32>,
        %swap3A_193 = arith.constant 1 : i32
        %swap3A_194 = arith.constant 1 : i32
        %swap3A_195 = arith.index_cast %swap3A_193 : i32 to index
        %swap3A_196 = arith.index_cast %swap3A_194 : i32 to index
        %swap3A_197 = arith.constant 0 : index
        %swap3A_198 = tpu.vector_load %arg11[%swap3A_195, %swap3A_196, %swap3A_197] {strides = array<i32>} : memref<2x8x16xi32, #tpu.memory_space<vmem>>, vector<16xi32>,
        tpu.vector_store %arg11[%swap3A_195, %swap3A_196, %swap3A_197], %gather3A_188 {strides = array<i32>} : memref<2x8x16xi32, #tpu.memory_space<vmem>>, vector<16xi32>,
        %get3A_199 = arith.constant 32 : index
        %get3A_200 = tpu.vector_load %arg9[%get3A_199] {strides = array<i32>} : memref<128xi32, #tpu.memory_space<vmem>>, vector<16xi32>,
        %gather3A_201 = tpu.vector_load_idx %arg6[%get3A_200] : memref<128xi32, #tpu.memory_space<vmem>>[vector<16xi32>], vector<16xi32>,
        %gather3A_202 = tpu.vector_load_idx %arg7[%gather3A_201, %gather3A_201] : memref<100x100xf32, #tpu.memory_space<vmem>>[vector<16xi32>, vector<16xi32>], vector<16xf32>,
        %add3A_203 = arith.constant 32 : i32
        %add3A_204 = vector.broadcast %add3A_203 : i32 to vector<16xi32>
        %add3A_205 = arith.addi %add3A_204, %iota3A : vector<16xi32>
        tpu.vector_store_idx %arg13[%gather3A_201, %add3A_205], %gather3A_202 : memref<100x128xf32, #tpu.memory_space<vmem>>[vector<16xi32>, vector<16xi32>], vector<16xf32>,
        %swap3A_206 = arith.constant 1 : i32
        %swap3A_207 = arith.constant 2 : i32
        %swap3A_208 = arith.index_cast %swap3A_206 : i32 to index
        %swap3A_209 = arith.index_cast %swap3A_207 : i32 to index
        %swap3A_210 = arith.constant 0 : index
        %swap3A_211 = tpu.vector_load %arg11[%swap3A_208, %swap3A_209, %swap3A_210] {strides = array<i32>} : memref<2x8x16xi32, #tpu.memory_space<vmem>>, vector<16xi32>,
        tpu.vector_store %arg11[%swap3A_208, %swap3A_209, %swap3A_210], %gather3A_201 {strides = array<i32>} : memref<2x8x16xi32, #tpu.memory_space<vmem>>, vector<16xi32>,
        %get3A_212 = arith.constant 48 : index
        %get3A_213 = tpu.vector_load %arg9[%get3A_212] {strides = array<i32>} : memref<128xi32, #tpu.memory_space<vmem>>, vector<16xi32>,
        %gather3A_214 = tpu.vector_load_idx %arg6[%get3A_213] : memref<128xi32, #tpu.memory_space<vmem>>[vector<16xi32>], vector<16xi32>,
        %gather3A_215 = tpu.vector_load_idx %arg7[%gather3A_214, %gather3A_214] : memref<100x100xf32, #tpu.memory_space<vmem>>[vector<16xi32>, vector<16xi32>], vector<16xf32>,
        %add3A_216 = arith.constant 48 : i32
        %add3A_217 = vector.broadcast %add3A_216 : i32 to vector<16xi32>
        %add3A_218 = arith.addi %add3A_217, %iota3A : vector<16xi32>
        tpu.vector_store_idx %arg13[%gather3A_214, %add3A_218], %gather3A_215 : memref<100x128xf32, #tpu.memory_space<vmem>>[vector<16xi32>, vector<16xi32>], vector<16xf32>,
        %swap3A_219 = arith.constant 1 : i32
        %swap3A_220 = arith.constant 3 : i32
        %swap3A_221 = arith.index_cast %swap3A_219 : i32 to index
        %swap3A_222 = arith.index_cast %swap3A_220 : i32 to index
        %swap3A_223 = arith.constant 0 : index
        %swap3A_224 = tpu.vector_load %arg11[%swap3A_221, %swap3A_222, %swap3A_223] {strides = array<i32>} : memref<2x8x16xi32, #tpu.memory_space<vmem>>, vector<16xi32>,
        tpu.vector_store %arg11[%swap3A_221, %swap3A_222, %swap3A_223], %gather3A_214 {strides = array<i32>} : memref<2x8x16xi32, #tpu.memory_space<vmem>>, vector<16xi32>,
        %get3A_225 = arith.constant 64 : index
        %get3A_226 = tpu.vector_load %arg9[%get3A_225] {strides = array<i32>} : memref<128xi32, #tpu.memory_space<vmem>>, vector<16xi32>,
        %gather3A_227 = tpu.vector_load_idx %arg6[%get3A_226] : memref<128xi32, #tpu.memory_space<vmem>>[vector<16xi32>], vector<16xi32>,
        %gather3A_228 = tpu.vector_load_idx %arg7[%gather3A_227, %gather3A_227] : memref<100x100xf32, #tpu.memory_space<vmem>>[vector<16xi32>, vector<16xi32>], vector<16xf32>,
        %add3A_229 = arith.constant 64 : i32
        %add3A_230 = vector.broadcast %add3A_229 : i32 to vector<16xi32>
        %add3A_231 = arith.addi %add3A_230, %iota3A : vector<16xi32>
        tpu.vector_store_idx %arg13[%gather3A_227, %add3A_231], %gather3A_228 : memref<100x128xf32, #tpu.memory_space<vmem>>[vector<16xi32>, vector<16xi32>], vector<16xf32>,
        %swap3A_232 = arith.constant 1 : i32
        %swap3A_233 = arith.constant 4 : i32
        %swap3A_234 = arith.index_cast %swap3A_232 : i32 to index
        %swap3A_235 = arith.index_cast %swap3A_233 : i32 to index
        %swap3A_236 = arith.constant 0 : index
        %swap3A_237 = tpu.vector_load %arg11[%swap3A_234, %swap3A_235, %swap3A_236] {strides = array<i32>} : memref<2x8x16xi32, #tpu.memory_space<vmem>>, vector<16xi32>,
        tpu.vector_store %arg11[%swap3A_234, %swap3A_235, %swap3A_236], %gather3A_227 {strides = array<i32>} : memref<2x8x16xi32, #tpu.memory_space<vmem>>, vector<16xi32>,
        %get3A_238 = arith.constant 80 : index
        %get3A_239 = tpu.vector_load %arg9[%get3A_238] {strides = array<i32>} : memref<128xi32, #tpu.memory_space<vmem>>, vector<16xi32>,
        %gather3A_240 = tpu.vector_load_idx %arg6[%get3A_239] : memref<128xi32, #tpu.memory_space<vmem>>[vector<16xi32>], vector<16xi32>,
        %gather3A_241 = tpu.vector_load_idx %arg7[%gather3A_240, %gather3A_240] : memref<100x100xf32, #tpu.memory_space<vmem>>[vector<16xi32>, vector<16xi32>], vector<16xf32>,
        %add3A_242 = arith.constant 80 : i32
        %add3A_243 = vector.broadcast %add3A_242 : i32 to vector<16xi32>
        %add3A_244 = arith.addi %add3A_243, %iota3A : vector<16xi32>
        tpu.vector_store_idx %arg13[%gather3A_240, %add3A_244], %gather3A_241 : memref<100x128xf32, #tpu.memory_space<vmem>>[vector<16xi32>, vector<16xi32>], vector<16xf32>,
        %swap3A_245 = arith.constant 1 : i32
        %swap3A_246 = arith.constant 5 : i32
        %swap3A_247 = arith.index_cast %swap3A_245 : i32 to index
        %swap3A_248 = arith.index_cast %swap3A_246 : i32 to index
        %swap3A_249 = arith.constant 0 : index
        %swap3A_250 = tpu.vector_load %arg11[%swap3A_247, %swap3A_248, %swap3A_249] {strides = array<i32>} : memref<2x8x16xi32, #tpu.memory_space<vmem>>, vector<16xi32>,
        tpu.vector_store %arg11[%swap3A_247, %swap3A_248, %swap3A_249], %gather3A_240 {strides = array<i32>} : memref<2x8x16xi32, #tpu.memory_space<vmem>>, vector<16xi32>,
        %get3A_251 = arith.constant 96 : index
        %get3A_252 = tpu.vector_load %arg9[%get3A_251] {strides = array<i32>} : memref<128xi32, #tpu.memory_space<vmem>>, vector<16xi32>,
        %gather3A_253 = tpu.vector_load_idx %arg6[%get3A_252] : memref<128xi32, #tpu.memory_space<vmem>>[vector<16xi32>], vector<16xi32>,
        %gather3A_254 = tpu.vector_load_idx %arg7[%gather3A_253, %gather3A_253] : memref<100x100xf32, #tpu.memory_space<vmem>>[vector<16xi32>, vector<16xi32>], vector<16xf32>,
        %add3A_255 = arith.constant 96 : i32
        %add3A_256 = vector.broadcast %add3A_255 : i32 to vector<16xi32>
        %add3A_257 = arith.addi %add3A_256, %iota3A : vector<16xi32>
        tpu.vector_store_idx %arg13[%gather3A_253, %add3A_257], %gather3A_254 : memref<100x128xf32, #tpu.memory_space<vmem>>[vector<16xi32>, vector<16xi32>], vector<16xf32>,
        %swap3A_258 = arith.constant 1 : i32
        %swap3A_259 = arith.constant 6 : i32
        %swap3A_260 = arith.index_cast %swap3A_258 : i32 to index
        %swap3A_261 = arith.index_cast %swap3A_259 : i32 to index
        %swap3A_262 = arith.constant 0 : index
        %swap3A_263 = tpu.vector_load %arg11[%swap3A_260, %swap3A_261, %swap3A_262] {strides = array<i32>} : memref<2x8x16xi32, #tpu.memory_space<vmem>>, vector<16xi32>,
        tpu.vector_store %arg11[%swap3A_260, %swap3A_261, %swap3A_262], %gather3A_253 {strides = array<i32>} : memref<2x8x16xi32, #tpu.memory_space<vmem>>, vector<16xi32>,
        %get3A_264 = arith.constant 112 : index
        %get3A_265 = tpu.vector_load %arg9[%get3A_264] {strides = array<i32>} : memref<128xi32, #tpu.memory_space<vmem>>, vector<16xi32>,
        %gather3A_266 = tpu.vector_load_idx %arg6[%get3A_265] : memref<128xi32, #tpu.memory_space<vmem>>[vector<16xi32>], vector<16xi32>,
        %gather3A_267 = tpu.vector_load_idx %arg7[%gather3A_266, %gather3A_266] : memref<100x100xf32, #tpu.memory_space<vmem>>[vector<16xi32>, vector<16xi32>], vector<16xf32>,
        %add3A_268 = arith.constant 112 : i32
        %add3A_269 = vector.broadcast %add3A_268 : i32 to vector<16xi32>
        %add3A_270 = arith.addi %add3A_269, %iota3A : vector<16xi32>
        tpu.vector_store_idx %arg13[%gather3A_266, %add3A_270], %gather3A_267 : memref<100x128xf32, #tpu.memory_space<vmem>>[vector<16xi32>, vector<16xi32>], vector<16xf32>,
        %swap3A_271 = arith.constant 1 : i32
        %swap3A_272 = arith.constant 7 : i32
        %swap3A_273 = arith.index_cast %swap3A_271 : i32 to index
        %swap3A_274 = arith.index_cast %swap3A_272 : i32 to index
        %swap3A_275 = arith.constant 0 : index
        %swap3A_276 = tpu.vector_load %arg11[%swap3A_273, %swap3A_274, %swap3A_275] {strides = array<i32>} : memref<2x8x16xi32, #tpu.memory_space<vmem>>, vector<16xi32>,
        tpu.vector_store %arg11[%swap3A_273, %swap3A_274, %swap3A_275], %gather3A_266 {strides = array<i32>} : memref<2x8x16xi32, #tpu.memory_space<vmem>>, vector<16xi32>,
        %mul3A_277 = arith.constant 32 : i32
        %mul3A_278 = arith.muli %mul3A_277, %add3A_154 : i32
        %add3A_279 = arith.addi %add3A, %mul3A_278 : i32
        %mul3A_280 = arith.constant 128 : i32
        %mul3A_281 = arith.muli %add3A_279, %mul3A_280 : i32
        %dma_start3A_282 = arith.constant 0 : i32
        %dma_start3A_283 = tpu.memref_slice %arg5[%dma_start3A_282, %mul3A_281] : memref<100x100000xf32, #tpu.memory_space<hbm>> -> memref<100x128xf32, #tpu.memory_space<hbm>>
        %dma_start3A_284 = arith.constant 0 : i32
        %dma_start3A_285 = tpu.memref_slice %arg5[%dma_start3A_284, %mul3A_281] : memref<100x100000xf32, #tpu.memory_space<hbm>> -> memref<100x128xf32, #tpu.memory_space<hbm>>
        tpu.enqueue_dma source(%arg13 : memref<100x128xf32, #tpu.memory_space<vmem>>) target(%dma_start3A_285 : memref<100x128xf32, #tpu.memory_space<hbm>>) target_semaphore(%arg18 : memref<!tpu.dma_semaphore, #tpu.memory_space<semaphore_mem>>)
        %add3A_286 = arith.constant 64 : i32
        %add3A_287 = arith.addi %add3A_157, %add3A_286 : i32
        %lt3A_288 = arith.constant 781 : i32
        %lt3A_289 = arith.cmpi slt, %add3A_287, %lt3A_288 : i32
        %convert_element_type3A_290 = arith.extui %lt3A_289 : i1 to i32
        %cond3A_291 = arith.constant 0 : i32
        %cond3A_292 = arith.cmpi ne, %convert_element_type3A_290, %cond3A_291 : i32
        scf.if %cond3A_292 {
          %add3A_293 = arith.constant 2 : i32
          %add3A_294 = arith.addi %add3A_154, %add3A_293 : i32
          %mul3A_295 = arith.constant 32 : i32
          %mul3A_296 = arith.muli %mul3A_295, %add3A_294 : i32
          %add3A_297 = arith.addi %add3A, %mul3A_296 : i32
          %mul3A_298 = arith.constant 128 : i32
          %mul3A_299 = arith.muli %add3A_297, %mul3A_298 : i32
          %dma_start3A_300 = tpu.memref_slice %arg2[%mul3A_299] : memref<100000xi32, #tpu.memory_space<hbm>> -> memref<128xi32, #tpu.memory_space<hbm>>
          %dma_start3A_301 = tpu.memref_slice %arg2[%mul3A_299] : memref<100000xi32, #tpu.memory_space<hbm>> -> memref<128xi32, #tpu.memory_space<hbm>>
          tpu.enqueue_dma source(%dma_start3A_301 : memref<128xi32, #tpu.memory_space<hbm>>) target(%arg9 : memref<128xi32, #tpu.memory_space<vmem>>) target_semaphore(%arg16 : memref<!tpu.dma_semaphore, #tpu.memory_space<semaphore_mem>>)
        } else {
        }
      } else {
      }
    }
    %scan3A_31 = arith.constant 12 : i32
    %add3A_32 = arith.constant 768 : i32
    %add3A_33 = arith.addi %add3A, %add3A_32 : i32
    %add3A_34 = arith.constant 704 : i32
    %add3A_35 = arith.addi %add3A, %add3A_34 : i32
    %mul3A_36 = arith.constant 128 : i32
    %mul3A_37 = arith.muli %add3A_35, %mul3A_36 : i32
    %dma_wait3A = arith.constant 0 : i32
    %dma_wait3A_38 = tpu.memref_slice %arg5[%dma_wait3A, %mul3A_37] : memref<100x100000xf32, #tpu.memory_space<hbm>> -> memref<100x128xf32, #tpu.memory_space<hbm>>
    %dma_wait3A_39 = arith.constant 0 : i32
    %dma_wait3A_40 = tpu.memref_slice %arg5[%dma_wait3A_39, %mul3A_37] : memref<100x100000xf32, #tpu.memory_space<hbm>> -> memref<100x128xf32, #tpu.memory_space<hbm>>
    tpu.wait_dma2 semaphore(%arg17 : memref<!tpu.dma_semaphore, #tpu.memory_space<semaphore_mem>>) src(%arg12 : memref<100x128xf32, #tpu.memory_space<vmem>>) dst(%dma_wait3A_40 : memref<100x128xf32, #tpu.memory_space<hbm>>)
    %get3A = arith.constant 0 : i32
    %get3A_41 = arith.constant 0 : i32
    %get3A_42 = arith.index_cast %get3A : i32 to index
    %get3A_43 = arith.index_cast %get3A_41 : i32 to index
    %get3A_44 = arith.constant 0 : index
    %get3A_45 = tpu.vector_load %arg11[%get3A_42, %get3A_43, %get3A_44] {strides = array<i32>} : memref<2x8x16xi32, #tpu.memory_space<vmem>>, vector<16xi32>,
    %add3A_46 = arith.constant 0 : i32
    %add3A_47 = vector.broadcast %add3A_46 : i32 to vector<16xi32>
    %add3A_48 = arith.addi %add3A_47, %iota3A : vector<16xi32>
    tpu.vector_store_idx %arg12[%get3A_45, %add3A_48], %broadcast_in_dim3A_1 : memref<100x128xf32, #tpu.memory_space<vmem>>[vector<16xi32>, vector<16xi32>], vector<16xf32>,
    %get3A_49 = arith.constant 0 : i32
    %get3A_50 = arith.constant 1 : i32
    %get3A_51 = arith.index_cast %get3A_49 : i32 to index
    %get3A_52 = arith.index_cast %get3A_50 : i32 to index
    %get3A_53 = arith.constant 0 : index
    %get3A_54 = tpu.vector_load %arg11[%get3A_51, %get3A_52, %get3A_53] {strides = array<i32>} : memref<2x8x16xi32, #tpu.memory_space<vmem>>, vector<16xi32>,
    %add3A_55 = arith.constant 16 : i32
    %add3A_56 = vector.broadcast %add3A_55 : i32 to vector<16xi32>
    %add3A_57 = arith.addi %add3A_56, %iota3A : vector<16xi32>
    tpu.vector_store_idx %arg12[%get3A_54, %add3A_57], %broadcast_in_dim3A_1 : memref<100x128xf32, #tpu.memory_space<vmem>>[vector<16xi32>, vector<16xi32>], vector<16xf32>,
    %get3A_58 = arith.constant 0 : i32
    %get3A_59 = arith.constant 2 : i32
    %get3A_60 = arith.index_cast %get3A_58 : i32 to index
    %get3A_61 = arith.index_cast %get3A_59 : i32 to index
    %get3A_62 = arith.constant 0 : index
    %get3A_63 = tpu.vector_load %arg11[%get3A_60, %get3A_61, %get3A_62] {strides = array<i32>} : memref<2x8x16xi32, #tpu.memory_space<vmem>>, vector<16xi32>,
    %add3A_64 = arith.constant 32 : i32
    %add3A_65 = vector.broadcast %add3A_64 : i32 to vector<16xi32>
    %add3A_66 = arith.addi %add3A_65, %iota3A : vector<16xi32>
    tpu.vector_store_idx %arg12[%get3A_63, %add3A_66], %broadcast_in_dim3A_1 : memref<100x128xf32, #tpu.memory_space<vmem>>[vector<16xi32>, vector<16xi32>], vector<16xf32>,
    %get3A_67 = arith.constant 0 : i32
    %get3A_68 = arith.constant 3 : i32
    %get3A_69 = arith.index_cast %get3A_67 : i32 to index
    %get3A_70 = arith.index_cast %get3A_68 : i32 to index
    %get3A_71 = arith.constant 0 : index
    %get3A_72 = tpu.vector_load %arg11[%get3A_69, %get3A_70, %get3A_71] {strides = array<i32>} : memref<2x8x16xi32, #tpu.memory_space<vmem>>, vector<16xi32>,
    %add3A_73 = arith.constant 48 : i32
    %add3A_74 = vector.broadcast %add3A_73 : i32 to vector<16xi32>
    %add3A_75 = arith.addi %add3A_74, %iota3A : vector<16xi32>
    tpu.vector_store_idx %arg12[%get3A_72, %add3A_75], %broadcast_in_dim3A_1 : memref<100x128xf32, #tpu.memory_space<vmem>>[vector<16xi32>, vector<16xi32>], vector<16xf32>,
    %get3A_76 = arith.constant 0 : i32
    %get3A_77 = arith.constant 4 : i32
    %get3A_78 = arith.index_cast %get3A_76 : i32 to index
    %get3A_79 = arith.index_cast %get3A_77 : i32 to index
    %get3A_80 = arith.constant 0 : index
    %get3A_81 = tpu.vector_load %arg11[%get3A_78, %get3A_79, %get3A_80] {strides = array<i32>} : memref<2x8x16xi32, #tpu.memory_space<vmem>>, vector<16xi32>,
    %add3A_82 = arith.constant 64 : i32
    %add3A_83 = vector.broadcast %add3A_82 : i32 to vector<16xi32>
    %add3A_84 = arith.addi %add3A_83, %iota3A : vector<16xi32>
    tpu.vector_store_idx %arg12[%get3A_81, %add3A_84], %broadcast_in_dim3A_1 : memref<100x128xf32, #tpu.memory_space<vmem>>[vector<16xi32>, vector<16xi32>], vector<16xf32>,
    %get3A_85 = arith.constant 0 : i32
    %get3A_86 = arith.constant 5 : i32
    %get3A_87 = arith.index_cast %get3A_85 : i32 to index
    %get3A_88 = arith.index_cast %get3A_86 : i32 to index
    %get3A_89 = arith.constant 0 : index
    %get3A_90 = tpu.vector_load %arg11[%get3A_87, %get3A_88, %get3A_89] {strides = array<i32>} : memref<2x8x16xi32, #tpu.memory_space<vmem>>, vector<16xi32>,
    %add3A_91 = arith.constant 80 : i32
    %add3A_92 = vector.broadcast %add3A_91 : i32 to vector<16xi32>
    %add3A_93 = arith.addi %add3A_92, %iota3A : vector<16xi32>
    tpu.vector_store_idx %arg12[%get3A_90, %add3A_93], %broadcast_in_dim3A_1 : memref<100x128xf32, #tpu.memory_space<vmem>>[vector<16xi32>, vector<16xi32>], vector<16xf32>,
    %get3A_94 = arith.constant 0 : i32
    %get3A_95 = arith.constant 6 : i32
    %get3A_96 = arith.index_cast %get3A_94 : i32 to index
    %get3A_97 = arith.index_cast %get3A_95 : i32 to index
    %get3A_98 = arith.constant 0 : index
    %get3A_99 = tpu.vector_load %arg11[%get3A_96, %get3A_97, %get3A_98] {strides = array<i32>} : memref<2x8x16xi32, #tpu.memory_space<vmem>>, vector<16xi32>,
    %add3A_100 = arith.constant 96 : i32
    %add3A_101 = vector.broadcast %add3A_100 : i32 to vector<16xi32>
    %add3A_102 = arith.addi %add3A_101, %iota3A : vector<16xi32>
    tpu.vector_store_idx %arg12[%get3A_99, %add3A_102], %broadcast_in_dim3A_1 : memref<100x128xf32, #tpu.memory_space<vmem>>[vector<16xi32>, vector<16xi32>], vector<16xf32>,
    %get3A_103 = arith.constant 0 : i32
    %get3A_104 = arith.constant 7 : i32
    %get3A_105 = arith.index_cast %get3A_103 : i32 to index
    %get3A_106 = arith.index_cast %get3A_104 : i32 to index
    %get3A_107 = arith.constant 0 : index
    %get3A_108 = tpu.vector_load %arg11[%get3A_105, %get3A_106, %get3A_107] {strides = array<i32>} : memref<2x8x16xi32, #tpu.memory_space<vmem>>, vector<16xi32>,
    %add3A_109 = arith.constant 112 : i32
    %add3A_110 = vector.broadcast %add3A_109 : i32 to vector<16xi32>
    %add3A_111 = arith.addi %add3A_110, %iota3A : vector<16xi32>
    tpu.vector_store_idx %arg12[%get3A_108, %add3A_111], %broadcast_in_dim3A_1 : memref<100x128xf32, #tpu.memory_space<vmem>>[vector<16xi32>, vector<16xi32>], vector<16xf32>,
    %lt3A = arith.constant 781 : i32
    %lt3A_112 = arith.cmpi slt, %add3A_33, %lt3A : i32
    %convert_element_type3A = arith.extui %lt3A_112 : i1 to i32
    %cond3A = arith.constant 0 : i32
    %cond3A_113 = arith.cmpi ne, %convert_element_type3A, %cond3A : i32
    scf.if %cond3A_113 {
      %add3A_132 = arith.constant 768 : i32
      %add3A_133 = arith.addi %add3A, %add3A_132 : i32
      %mul3A_134 = arith.constant 128 : i32
      %mul3A_135 = arith.muli %add3A_133, %mul3A_134 : i32
      %dma_wait3A_136 = tpu.memref_slice %arg2[%mul3A_135] : memref<100000xi32, #tpu.memory_space<hbm>> -> memref<128xi32, #tpu.memory_space<hbm>>
      %dma_wait3A_137 = tpu.memref_slice %arg2[%mul3A_135] : memref<100000xi32, #tpu.memory_space<hbm>> -> memref<128xi32, #tpu.memory_space<hbm>>
      tpu.wait_dma2 semaphore(%arg15 : memref<!tpu.dma_semaphore, #tpu.memory_space<semaphore_mem>>) src(%dma_wait3A_137 : memref<128xi32, #tpu.memory_space<hbm>>) dst(%arg8 : memref<128xi32, #tpu.memory_space<vmem>>)
      %get3A_138 = arith.constant 0 : index
      %get3A_139 = tpu.vector_load %arg8[%get3A_138] {strides = array<i32>} : memref<128xi32, #tpu.memory_space<vmem>>, vector<16xi32>,
      %gather3A = tpu.vector_load_idx %arg6[%get3A_139] : memref<128xi32, #tpu.memory_space<vmem>>[vector<16xi32>], vector<16xi32>,
      %gather3A_140 = tpu.vector_load_idx %arg7[%gather3A, %gather3A] : memref<100x100xf32, #tpu.memory_space<vmem>>[vector<16xi32>, vector<16xi32>], vector<16xf32>,
      %add3A_141 = arith.constant 0 : i32
      %add3A_142 = vector.broadcast %add3A_141 : i32 to vector<16xi32>
      %add3A_143 = arith.addi %add3A_142, %iota3A : vector<16xi32>
      tpu.vector_store_idx %arg12[%gather3A, %add3A_143], %gather3A_140 : memref<100x128xf32, #tpu.memory_space<vmem>>[vector<16xi32>, vector<16xi32>], vector<16xf32>,
      %swap3A = arith.constant 0 : i32
      %swap3A_144 = arith.constant 0 : i32
      %swap3A_145 = arith.index_cast %swap3A : i32 to index
      %swap3A_146 = arith.index_cast %swap3A_144 : i32 to index
      %swap3A_147 = arith.constant 0 : index
      %swap3A_148 = tpu.vector_load %arg11[%swap3A_145, %swap3A_146, %swap3A_147] {strides = array<i32>} : memref<2x8x16xi32, #tpu.memory_space<vmem>>, vector<16xi32>,
      tpu.vector_store %arg11[%swap3A_145, %swap3A_146, %swap3A_147], %gather3A {strides = array<i32>} : memref<2x8x16xi32, #tpu.memory_space<vmem>>, vector<16xi32>,
      %get3A_149 = arith.constant 16 : index
      %get3A_150 = tpu.vector_load %arg8[%get3A_149] {strides = array<i32>} : memref<128xi32, #tpu.memory_space<vmem>>, vector<16xi32>,
      %gather3A_151 = tpu.vector_load_idx %arg6[%get3A_150] : memref<128xi32, #tpu.memory_space<vmem>>[vector<16xi32>], vector<16xi32>,
      %gather3A_152 = tpu.vector_load_idx %arg7[%gather3A_151, %gather3A_151] : memref<100x100xf32, #tpu.memory_space<vmem>>[vector<16xi32>, vector<16xi32>], vector<16xf32>,
      %add3A_153 = arith.constant 16 : i32
      %add3A_154 = vector.broadcast %add3A_153 : i32 to vector<16xi32>
      %add3A_155 = arith.addi %add3A_154, %iota3A : vector<16xi32>
      tpu.vector_store_idx %arg12[%gather3A_151, %add3A_155], %gather3A_152 : memref<100x128xf32, #tpu.memory_space<vmem>>[vector<16xi32>, vector<16xi32>], vector<16xf32>,
      %swap3A_156 = arith.constant 0 : i32
      %swap3A_157 = arith.constant 1 : i32
      %swap3A_158 = arith.index_cast %swap3A_156 : i32 to index
      %swap3A_159 = arith.index_cast %swap3A_157 : i32 to index
      %swap3A_160 = arith.constant 0 : index
      %swap3A_161 = tpu.vector_load %arg11[%swap3A_158, %swap3A_159, %swap3A_160] {strides = array<i32>} : memref<2x8x16xi32, #tpu.memory_space<vmem>>, vector<16xi32>,
      tpu.vector_store %arg11[%swap3A_158, %swap3A_159, %swap3A_160], %gather3A_151 {strides = array<i32>} : memref<2x8x16xi32, #tpu.memory_space<vmem>>, vector<16xi32>,
      %get3A_162 = arith.constant 32 : index
      %get3A_163 = tpu.vector_load %arg8[%get3A_162] {strides = array<i32>} : memref<128xi32, #tpu.memory_space<vmem>>, vector<16xi32>,
      %gather3A_164 = tpu.vector_load_idx %arg6[%get3A_163] : memref<128xi32, #tpu.memory_space<vmem>>[vector<16xi32>], vector<16xi32>,
      %gather3A_165 = tpu.vector_load_idx %arg7[%gather3A_164, %gather3A_164] : memref<100x100xf32, #tpu.memory_space<vmem>>[vector<16xi32>, vector<16xi32>], vector<16xf32>,
      %add3A_166 = arith.constant 32 : i32
      %add3A_167 = vector.broadcast %add3A_166 : i32 to vector<16xi32>
      %add3A_168 = arith.addi %add3A_167, %iota3A : vector<16xi32>
      tpu.vector_store_idx %arg12[%gather3A_164, %add3A_168], %gather3A_165 : memref<100x128xf32, #tpu.memory_space<vmem>>[vector<16xi32>, vector<16xi32>], vector<16xf32>,
      %swap3A_169 = arith.constant 0 : i32
      %swap3A_170 = arith.constant 2 : i32
      %swap3A_171 = arith.index_cast %swap3A_169 : i32 to index
      %swap3A_172 = arith.index_cast %swap3A_170 : i32 to index
      %swap3A_173 = arith.constant 0 : index
      %swap3A_174 = tpu.vector_load %arg11[%swap3A_171, %swap3A_172, %swap3A_173] {strides = array<i32>} : memref<2x8x16xi32, #tpu.memory_space<vmem>>, vector<16xi32>,
      tpu.vector_store %arg11[%swap3A_171, %swap3A_172, %swap3A_173], %gather3A_164 {strides = array<i32>} : memref<2x8x16xi32, #tpu.memory_space<vmem>>, vector<16xi32>,
      %get3A_175 = arith.constant 48 : index
      %get3A_176 = tpu.vector_load %arg8[%get3A_175] {strides = array<i32>} : memref<128xi32, #tpu.memory_space<vmem>>, vector<16xi32>,
      %gather3A_177 = tpu.vector_load_idx %arg6[%get3A_176] : memref<128xi32, #tpu.memory_space<vmem>>[vector<16xi32>], vector<16xi32>,
      %gather3A_178 = tpu.vector_load_idx %arg7[%gather3A_177, %gather3A_177] : memref<100x100xf32, #tpu.memory_space<vmem>>[vector<16xi32>, vector<16xi32>], vector<16xf32>,
      %add3A_179 = arith.constant 48 : i32
      %add3A_180 = vector.broadcast %add3A_179 : i32 to vector<16xi32>
      %add3A_181 = arith.addi %add3A_180, %iota3A : vector<16xi32>
      tpu.vector_store_idx %arg12[%gather3A_177, %add3A_181], %gather3A_178 : memref<100x128xf32, #tpu.memory_space<vmem>>[vector<16xi32>, vector<16xi32>], vector<16xf32>,
      %swap3A_182 = arith.constant 0 : i32
      %swap3A_183 = arith.constant 3 : i32
      %swap3A_184 = arith.index_cast %swap3A_182 : i32 to index
      %swap3A_185 = arith.index_cast %swap3A_183 : i32 to index
      %swap3A_186 = arith.constant 0 : index
      %swap3A_187 = tpu.vector_load %arg11[%swap3A_184, %swap3A_185, %swap3A_186] {strides = array<i32>} : memref<2x8x16xi32, #tpu.memory_space<vmem>>, vector<16xi32>,
      tpu.vector_store %arg11[%swap3A_184, %swap3A_185, %swap3A_186], %gather3A_177 {strides = array<i32>} : memref<2x8x16xi32, #tpu.memory_space<vmem>>, vector<16xi32>,
      %get3A_188 = arith.constant 64 : index
      %get3A_189 = tpu.vector_load %arg8[%get3A_188] {strides = array<i32>} : memref<128xi32, #tpu.memory_space<vmem>>, vector<16xi32>,
      %gather3A_190 = tpu.vector_load_idx %arg6[%get3A_189] : memref<128xi32, #tpu.memory_space<vmem>>[vector<16xi32>], vector<16xi32>,
      %gather3A_191 = tpu.vector_load_idx %arg7[%gather3A_190, %gather3A_190] : memref<100x100xf32, #tpu.memory_space<vmem>>[vector<16xi32>, vector<16xi32>], vector<16xf32>,
      %add3A_192 = arith.constant 64 : i32
      %add3A_193 = vector.broadcast %add3A_192 : i32 to vector<16xi32>
      %add3A_194 = arith.addi %add3A_193, %iota3A : vector<16xi32>
      tpu.vector_store_idx %arg12[%gather3A_190, %add3A_194], %gather3A_191 : memref<100x128xf32, #tpu.memory_space<vmem>>[vector<16xi32>, vector<16xi32>], vector<16xf32>,
      %swap3A_195 = arith.constant 0 : i32
      %swap3A_196 = arith.constant 4 : i32
      %swap3A_197 = arith.index_cast %swap3A_195 : i32 to index
      %swap3A_198 = arith.index_cast %swap3A_196 : i32 to index
      %swap3A_199 = arith.constant 0 : index
      %swap3A_200 = tpu.vector_load %arg11[%swap3A_197, %swap3A_198, %swap3A_199] {strides = array<i32>} : memref<2x8x16xi32, #tpu.memory_space<vmem>>, vector<16xi32>,
      tpu.vector_store %arg11[%swap3A_197, %swap3A_198, %swap3A_199], %gather3A_190 {strides = array<i32>} : memref<2x8x16xi32, #tpu.memory_space<vmem>>, vector<16xi32>,
      %get3A_201 = arith.constant 80 : index
      %get3A_202 = tpu.vector_load %arg8[%get3A_201] {strides = array<i32>} : memref<128xi32, #tpu.memory_space<vmem>>, vector<16xi32>,
      %gather3A_203 = tpu.vector_load_idx %arg6[%get3A_202] : memref<128xi32, #tpu.memory_space<vmem>>[vector<16xi32>], vector<16xi32>,
      %gather3A_204 = tpu.vector_load_idx %arg7[%gather3A_203, %gather3A_203] : memref<100x100xf32, #tpu.memory_space<vmem>>[vector<16xi32>, vector<16xi32>], vector<16xf32>,
      %add3A_205 = arith.constant 80 : i32
      %add3A_206 = vector.broadcast %add3A_205 : i32 to vector<16xi32>
      %add3A_207 = arith.addi %add3A_206, %iota3A : vector<16xi32>
      tpu.vector_store_idx %arg12[%gather3A_203, %add3A_207], %gather3A_204 : memref<100x128xf32, #tpu.memory_space<vmem>>[vector<16xi32>, vector<16xi32>], vector<16xf32>,
      %swap3A_208 = arith.constant 0 : i32
      %swap3A_209 = arith.constant 5 : i32
      %swap3A_210 = arith.index_cast %swap3A_208 : i32 to index
      %swap3A_211 = arith.index_cast %swap3A_209 : i32 to index
      %swap3A_212 = arith.constant 0 : index
      %swap3A_213 = tpu.vector_load %arg11[%swap3A_210, %swap3A_211, %swap3A_212] {strides = array<i32>} : memref<2x8x16xi32, #tpu.memory_space<vmem>>, vector<16xi32>,
      tpu.vector_store %arg11[%swap3A_210, %swap3A_211, %swap3A_212], %gather3A_203 {strides = array<i32>} : memref<2x8x16xi32, #tpu.memory_space<vmem>>, vector<16xi32>,
      %get3A_214 = arith.constant 96 : index
      %get3A_215 = tpu.vector_load %arg8[%get3A_214] {strides = array<i32>} : memref<128xi32, #tpu.memory_space<vmem>>, vector<16xi32>,
      %gather3A_216 = tpu.vector_load_idx %arg6[%get3A_215] : memref<128xi32, #tpu.memory_space<vmem>>[vector<16xi32>], vector<16xi32>,
      %gather3A_217 = tpu.vector_load_idx %arg7[%gather3A_216, %gather3A_216] : memref<100x100xf32, #tpu.memory_space<vmem>>[vector<16xi32>, vector<16xi32>], vector<16xf32>,
      %add3A_218 = arith.constant 96 : i32
      %add3A_219 = vector.broadcast %add3A_218 : i32 to vector<16xi32>
      %add3A_220 = arith.addi %add3A_219, %iota3A : vector<16xi32>
      tpu.vector_store_idx %arg12[%gather3A_216, %add3A_220], %gather3A_217 : memref<100x128xf32, #tpu.memory_space<vmem>>[vector<16xi32>, vector<16xi32>], vector<16xf32>,
      %swap3A_221 = arith.constant 0 : i32
      %swap3A_222 = arith.constant 6 : i32
      %swap3A_223 = arith.index_cast %swap3A_221 : i32 to index
      %swap3A_224 = arith.index_cast %swap3A_222 : i32 to index
      %swap3A_225 = arith.constant 0 : index
      %swap3A_226 = tpu.vector_load %arg11[%swap3A_223, %swap3A_224, %swap3A_225] {strides = array<i32>} : memref<2x8x16xi32, #tpu.memory_space<vmem>>, vector<16xi32>,
      tpu.vector_store %arg11[%swap3A_223, %swap3A_224, %swap3A_225], %gather3A_216 {strides = array<i32>} : memref<2x8x16xi32, #tpu.memory_space<vmem>>, vector<16xi32>,
      %get3A_227 = arith.constant 112 : index
      %get3A_228 = tpu.vector_load %arg8[%get3A_227] {strides = array<i32>} : memref<128xi32, #tpu.memory_space<vmem>>, vector<16xi32>,
      %gather3A_229 = tpu.vector_load_idx %arg6[%get3A_228] : memref<128xi32, #tpu.memory_space<vmem>>[vector<16xi32>], vector<16xi32>,
      %gather3A_230 = tpu.vector_load_idx %arg7[%gather3A_229, %gather3A_229] : memref<100x100xf32, #tpu.memory_space<vmem>>[vector<16xi32>, vector<16xi32>], vector<16xf32>,
      %add3A_231 = arith.constant 112 : i32
      %add3A_232 = vector.broadcast %add3A_231 : i32 to vector<16xi32>
      %add3A_233 = arith.addi %add3A_232, %iota3A : vector<16xi32>
      tpu.vector_store_idx %arg12[%gather3A_229, %add3A_233], %gather3A_230 : memref<100x128xf32, #tpu.memory_space<vmem>>[vector<16xi32>, vector<16xi32>], vector<16xf32>,
      %swap3A_234 = arith.constant 0 : i32
      %swap3A_235 = arith.constant 7 : i32
      %swap3A_236 = arith.index_cast %swap3A_234 : i32 to index
      %swap3A_237 = arith.index_cast %swap3A_235 : i32 to index
      %swap3A_238 = arith.constant 0 : index
      %swap3A_239 = tpu.vector_load %arg11[%swap3A_236, %swap3A_237, %swap3A_238] {strides = array<i32>} : memref<2x8x16xi32, #tpu.memory_space<vmem>>, vector<16xi32>,
      tpu.vector_store %arg11[%swap3A_236, %swap3A_237, %swap3A_238], %gather3A_229 {strides = array<i32>} : memref<2x8x16xi32, #tpu.memory_space<vmem>>, vector<16xi32>,
      %add3A_240 = arith.constant 768 : i32
      %add3A_241 = arith.addi %add3A, %add3A_240 : i32
      %mul3A_242 = arith.constant 128 : i32
      %mul3A_243 = arith.muli %add3A_241, %mul3A_242 : i32
      %dma_start3A_244 = arith.constant 0 : i32
      %dma_start3A_245 = tpu.memref_slice %arg5[%dma_start3A_244, %mul3A_243] : memref<100x100000xf32, #tpu.memory_space<hbm>> -> memref<100x128xf32, #tpu.memory_space<hbm>>
      %dma_start3A_246 = arith.constant 0 : i32
      %dma_start3A_247 = tpu.memref_slice %arg5[%dma_start3A_246, %mul3A_243] : memref<100x100000xf32, #tpu.memory_space<hbm>> -> memref<100x128xf32, #tpu.memory_space<hbm>>
      tpu.enqueue_dma source(%arg12 : memref<100x128xf32, #tpu.memory_space<vmem>>) target(%dma_start3A_247 : memref<100x128xf32, #tpu.memory_space<hbm>>) target_semaphore(%arg17 : memref<!tpu.dma_semaphore, #tpu.memory_space<semaphore_mem>>)
      %add3A_248 = arith.constant 64 : i32
      %add3A_249 = arith.addi %add3A_33, %add3A_248 : i32
      %lt3A_250 = arith.constant 781 : i32
      %lt3A_251 = arith.cmpi slt, %add3A_249, %lt3A_250 : i32
      %convert_element_type3A_252 = arith.extui %lt3A_251 : i1 to i32
      %cond3A_253 = arith.constant 0 : i32
      %cond3A_254 = arith.cmpi ne, %convert_element_type3A_252, %cond3A_253 : i32
      scf.if %cond3A_254 {
        %add3A_255 = arith.constant 832 : i32
        %add3A_256 = arith.addi %add3A, %add3A_255 : i32
        %mul3A_257 = arith.constant 128 : i32
        %mul3A_258 = arith.muli %add3A_256, %mul3A_257 : i32
        %dma_start3A_259 = tpu.memref_slice %arg2[%mul3A_258] : memref<100000xi32, #tpu.memory_space<hbm>> -> memref<128xi32, #tpu.memory_space<hbm>>
        %dma_start3A_260 = tpu.memref_slice %arg2[%mul3A_258] : memref<100000xi32, #tpu.memory_space<hbm>> -> memref<128xi32, #tpu.memory_space<hbm>>
        tpu.enqueue_dma source(%dma_start3A_260 : memref<128xi32, #tpu.memory_space<hbm>>) target(%arg8 : memref<128xi32, #tpu.memory_space<vmem>>) target_semaphore(%arg15 : memref<!tpu.dma_semaphore, #tpu.memory_space<semaphore_mem>>)
      } else {
      }
    } else {
    }
    %eq3A = arith.constant 13 : i32
    %eq3A_114 = arith.cmpi eq, %add3A, %eq3A : i32
    %convert_element_type3A_115 = arith.extui %eq3A_114 : i1 to i32
    %cond3A_116 = arith.constant 0 : i32
    %cond3A_117 = arith.cmpi ne, %convert_element_type3A_115, %cond3A_116 : i32
    scf.if %cond3A_117 {
      "tpu.region"() ({
        %run_scoped3A = tpu.sem_alloc : memref<!tpu.dma_semaphore, #tpu.memory_space<semaphore_mem>>
        %dma_start3A_145 = arith.constant 99968 : i32
        %dma_start3A_146 = tpu.memref_slice %arg2[%dma_start3A_145] : memref<100000xi32, #tpu.memory_space<hbm>> -> memref<32xi32, #tpu.memory_space<hbm>>
        %dma_start3A_147 = arith.constant 99968 : i32
        %dma_start3A_148 = tpu.memref_slice %arg2[%dma_start3A_147] : memref<100000xi32, #tpu.memory_space<hbm>> -> memref<32xi32, #tpu.memory_space<hbm>>
        tpu.enqueue_dma source(%dma_start3A_148 : memref<32xi32, #tpu.memory_space<hbm>>) target(%arg10 : memref<32xi32, #tpu.memory_space<vmem>>) target_semaphore(%run_scoped3A : memref<!tpu.dma_semaphore, #tpu.memory_space<semaphore_mem>>)
        %dma_wait3A_149 = arith.constant 99968 : i32
        %dma_wait3A_150 = tpu.memref_slice %arg2[%dma_wait3A_149] : memref<100000xi32, #tpu.memory_space<hbm>> -> memref<32xi32, #tpu.memory_space<hbm>>
        %dma_wait3A_151 = arith.constant 99968 : i32
        %dma_wait3A_152 = tpu.memref_slice %arg2[%dma_wait3A_151] : memref<100000xi32, #tpu.memory_space<hbm>> -> memref<32xi32, #tpu.memory_space<hbm>>
        tpu.wait_dma2 semaphore(%run_scoped3A : memref<!tpu.dma_semaphore, #tpu.memory_space<semaphore_mem>>) src(%dma_wait3A_152 : memref<32xi32, #tpu.memory_space<hbm>>) dst(%arg10 : memref<32xi32, #tpu.memory_space<vmem>>)
        tpu.yield
      }) : () -> ()
      %get3A_132 = arith.constant 0 : index
      %get3A_133 = tpu.vector_load %arg10[%get3A_132] {strides = array<i32>} : memref<32xi32, #tpu.memory_space<vmem>>, vector<16xi32>,
      %gather3A = tpu.vector_load_idx %arg6[%get3A_133] : memref<128xi32, #tpu.memory_space<vmem>>[vector<16xi32>], vector<16xi32>,
      %gather3A_134 = tpu.vector_load_idx %arg7[%gather3A, %gather3A] : memref<100x100xf32, #tpu.memory_space<vmem>>[vector<16xi32>, vector<16xi32>], vector<16xf32>,
      %add3A_135 = arith.constant 0 : i32
      %add3A_136 = vector.broadcast %add3A_135 : i32 to vector<16xi32>
      %add3A_137 = arith.addi %add3A_136, %iota3A : vector<16xi32>
      tpu.vector_store_idx %arg14[%gather3A, %add3A_137], %gather3A_134 : memref<100x32xf32, #tpu.memory_space<vmem>>[vector<16xi32>, vector<16xi32>], vector<16xf32>,
      %get3A_138 = arith.constant 16 : index
      %get3A_139 = tpu.vector_load %arg10[%get3A_138] {strides = array<i32>} : memref<32xi32, #tpu.memory_space<vmem>>, vector<16xi32>,
      %gather3A_140 = tpu.vector_load_idx %arg6[%get3A_139] : memref<128xi32, #tpu.memory_space<vmem>>[vector<16xi32>], vector<16xi32>,
      %gather3A_141 = tpu.vector_load_idx %arg7[%gather3A_140, %gather3A_140] : memref<100x100xf32, #tpu.memory_space<vmem>>[vector<16xi32>, vector<16xi32>], vector<16xf32>,
      %add3A_142 = arith.constant 16 : i32
      %add3A_143 = vector.broadcast %add3A_142 : i32 to vector<16xi32>
      %add3A_144 = arith.addi %add3A_143, %iota3A : vector<16xi32>
      tpu.vector_store_idx %arg14[%gather3A_140, %add3A_144], %gather3A_141 : memref<100x32xf32, #tpu.memory_space<vmem>>[vector<16xi32>, vector<16xi32>], vector<16xf32>,
      "tpu.region"() ({
        %run_scoped3A = tpu.sem_alloc : memref<!tpu.dma_semaphore, #tpu.memory_space<semaphore_mem>>
        %dma_start3A_145 = arith.constant 0 : i32
        %dma_start3A_146 = arith.constant 99968 : i32
        %dma_start3A_147 = tpu.memref_slice %arg5[%dma_start3A_145, %dma_start3A_146] : memref<100x100000xf32, #tpu.memory_space<hbm>> -> memref<100x32xf32, #tpu.memory_space<hbm>>
        %dma_start3A_148 = arith.constant 0 : i32
        %dma_start3A_149 = arith.constant 99968 : i32
        %dma_start3A_150 = tpu.memref_slice %arg5[%dma_start3A_148, %dma_start3A_149] : memref<100x100000xf32, #tpu.memory_space<hbm>> -> memref<100x32xf32, #tpu.memory_space<hbm>>
        tpu.enqueue_dma source(%arg14 : memref<100x32xf32, #tpu.memory_space<vmem>>) target(%dma_start3A_150 : memref<100x32xf32, #tpu.memory_space<hbm>>) target_semaphore(%run_scoped3A : memref<!tpu.dma_semaphore, #tpu.memory_space<semaphore_mem>>)
        %dma_wait3A_151 = arith.constant 0 : i32
        %dma_wait3A_152 = arith.constant 99968 : i32
        %dma_wait3A_153 = tpu.memref_slice %arg5[%dma_wait3A_151, %dma_wait3A_152] : memref<100x100000xf32, #tpu.memory_space<hbm>> -> memref<100x32xf32, #tpu.memory_space<hbm>>
        %dma_wait3A_154 = arith.constant 0 : i32
        %dma_wait3A_155 = arith.constant 99968 : i32
        %dma_wait3A_156 = tpu.memref_slice %arg5[%dma_wait3A_154, %dma_wait3A_155] : memref<100x100000xf32, #tpu.memory_space<hbm>> -> memref<100x32xf32, #tpu.memory_space<hbm>>
        tpu.wait_dma2 semaphore(%run_scoped3A : memref<!tpu.dma_semaphore, #tpu.memory_space<semaphore_mem>>) src(%arg14 : memref<100x32xf32, #tpu.memory_space<vmem>>) dst(%dma_wait3A_156 : memref<100x32xf32, #tpu.memory_space<hbm>>)
        tpu.yield
      }) : () -> ()
    } else {
    }
    %add3A_118 = arith.constant 736 : i32
    %add3A_119 = arith.addi %add3A, %add3A_118 : i32
    %lt3A_120 = arith.constant 781 : i32
    %lt3A_121 = arith.cmpi slt, %add3A_119, %lt3A_120 : i32
    %convert_element_type3A_122 = arith.extui %lt3A_121 : i1 to i32
    %cond3A_123 = arith.constant 0 : i32
    %cond3A_124 = arith.cmpi ne, %convert_element_type3A_122, %cond3A_123 : i32
    scf.if %cond3A_124 {
      %add3A_132 = arith.constant 736 : i32
      %add3A_133 = arith.addi %add3A, %add3A_132 : i32
      %mul3A_134 = arith.constant 128 : i32
      %mul3A_135 = arith.muli %add3A_133, %mul3A_134 : i32
      %dma_wait3A_136 = arith.constant 0 : i32
      %dma_wait3A_137 = tpu.memref_slice %arg5[%dma_wait3A_136, %mul3A_135] : memref<100x100000xf32, #tpu.memory_space<hbm>> -> memref<100x128xf32, #tpu.memory_space<hbm>>
      %dma_wait3A_138 = arith.constant 0 : i32
      %dma_wait3A_139 = tpu.memref_slice %arg5[%dma_wait3A_138, %mul3A_135] : memref<100x100000xf32, #tpu.memory_space<hbm>> -> memref<100x128xf32, #tpu.memory_space<hbm>>
      tpu.wait_dma2 semaphore(%arg18 : memref<!tpu.dma_semaphore, #tpu.memory_space<semaphore_mem>>) src(%arg13 : memref<100x128xf32, #tpu.memory_space<vmem>>) dst(%dma_wait3A_139 : memref<100x128xf32, #tpu.memory_space<hbm>>)
    } else {
    }
    %add3A_125 = arith.constant 768 : i32
    %add3A_126 = arith.addi %add3A, %add3A_125 : i32
    %lt3A_127 = arith.constant 781 : i32
    %lt3A_128 = arith.cmpi slt, %add3A_126, %lt3A_127 : i32
    %convert_element_type3A_129 = arith.extui %lt3A_128 : i1 to i32
    %cond3A_130 = arith.constant 0 : i32
    %cond3A_131 = arith.cmpi ne, %convert_element_type3A_129, %cond3A_130 : i32
    scf.if %cond3A_131 {
      %add3A_132 = arith.constant 768 : i32
      %add3A_133 = arith.addi %add3A, %add3A_132 : i32
      %mul3A_134 = arith.constant 128 : i32
      %mul3A_135 = arith.muli %add3A_133, %mul3A_134 : i32
      %dma_wait3A_136 = arith.constant 0 : i32
      %dma_wait3A_137 = tpu.memref_slice %arg5[%dma_wait3A_136, %mul3A_135] : memref<100x100000xf32, #tpu.memory_space<hbm>> -> memref<100x128xf32, #tpu.memory_space<hbm>>
      %dma_wait3A_138 = arith.constant 0 : i32
      %dma_wait3A_139 = tpu.memref_slice %arg5[%dma_wait3A_138, %mul3A_135] : memref<100x100000xf32, #tpu.memory_space<hbm>> -> memref<100x128xf32, #tpu.memory_space<hbm>>
      tpu.wait_dma2 semaphore(%arg17 : memref<!tpu.dma_semaphore, #tpu.memory_space<semaphore_mem>>) src(%arg12 : memref<100x128xf32, #tpu.memory_space<vmem>>) dst(%dma_wait3A_139 : memref<100x128xf32, #tpu.memory_space<hbm>>)
    } else {
    }
    return
  }
}

</mosaic_0001>

<sc_bundles>
// kernel: kernel.3.cloned.1.call-start
scs
__scs_entry_jumppad:
0x0: {  	(pc) =	sbr.rel $0x88, $3  }
0x1: {  	(tag) =	ssettag $0x0;
	lr =	simm.s32 $0x1  }
0x2: {  	[smem:$0x3F9E] =	sst lr;
	_ =	strace $0xD0000000  }
0x3: {  	_ = 	snop  }
0x4: {  	_ = 	snop  }
0x5: {  	_ = 	snop  }
0x6: {  	_ = 	snop  }
0x7: {  	_ = 	snop  }
__scs_overlays_trampoline_lowered:
0x8: {  	[smem:$0x3FAD] =	sst s0  }
0x9: {  	[smem:$0x3FAE] =	sst s1  }
0xa: {  	[smem:$0x3FAF] =	sst s2  }
0xb: {  	[smem:$0x3FB0] =	sst s3  }
0xc: {  	[smem:$0x3FB1] =	sst s4  }
0xd: {  	[smem:$0x3FB2] =	sst s5  }
0xe: {  	[smem:$0x3FB3] =	sst s6  }
0xf: {  	[smem:$0x3FB4] =	sst s7  }
0x10: {  	[smem:$0x3FB5] =	sst s8  }
0x11: {  	[smem:$0x3FB6] =	sst s9;
	s0 =	simm.s32 @!p0 $0x0  }
0x12: {  	s1 =	sld [smem:$0x3F9C];
	s0 =	simm.s32 @p0 $0x1  }
0x13: {  	[smem:$0x3FB7] =	sst s0;
	s0 =	simm.s32 @!p1 $0x0  }
0x14: {  	s2 =	sld [smem:$0x3F9B];
	s0 =	simm.s32 @p1 $0x1  }
0x15: {  	[smem:$0x3FB8] =	sst s0;
	s0 =	simm.s32 @!p2 $0x0  }
0x16: {  	s3 =	sld [smem:$0x3FDB];
	s0 =	simm.s32 @p2 $0x1  }
0x17: {  	s4 =	simm.s32 $0x1BF5;
	[smem:$0x3FBA] =	sst s0  }
0x18: {  	s0 =	sld [smem:$0x3F9D];
	_ =	swait.ge [sflag:s4], $0x0  }
0x19: {  	s7 =	sld [smem:$0x3F9E]  }
0x1a: {  	s8 =	sadd.s32 $0xFFFFE003, lr  }
0x1b: {  	s9 =	sadd.s32 $0xFFFFFEF7, lr;
	s5 =	simm.s32 $0xFFFFFFFF;
	p2 =	slt.u32 s8, $0xFFFFF086  }
0x1c: {  	p1 =	slt.u32 s9, $0xF7A;
	s5 =	simm.s32 @!p2 $0x0  }
0x1d: {  	s5 =	simm.s32 @p1 $0x1;
	p0 =	seq.s32 s7, s2  }
0x1e: {  	s7 =	smul.u32 @!p0 $0xF7A, s2;
	p2 =	seq.s32 @!p0 s5, $0x0  }
0x1f: {  	s9 =	smul.u32 $0xF7A, s1;
	s8 =	simm.s32 @!p0 $0x1BF5;
	p2 =	por !p2, p0  }
0x20: {  	[sflag:s8] =	ssyncset.s32 @!p0 $0xFFFFF086;
	s6 =	sadd.s32 @!p0 s3, s7;
	s7 =	simm.s32 @!p0 $0x108  }
0x21: {  	s3 =	sadd.s32 s3, s9;
	s6 =	sadd.s32 @!p0 $0x88, s6;
	s7 =	simm.s32 @p2 $0x1082  }
0x22: {  	[simem:s7], [sflag:s8] =	dma.local @!p0 [hbm:s6], $0xF7A  }
0x23: {  	s9 =	sor.u32 $0xD0000000, s2;
	s6 =	simm.s32 $0x108;
	_ =	swait.ge @!p0 [sflag:s8], $0x0  }
0x24: {  	s3 =	sadd.s32 $0x88, s3;
	s6 =	simm.s32 @!p1 $0x1082;
	[sflag:s4] =	ssyncset.s32 $0xFFFFF086  }
0x25: {  	[simem:s6], [sflag:s4] =	dma.local [hbm:s3], $0xF7A  }
0x26: {  	[smem:$0x3F9E] =	sst s1;
	(tag) =	ssettag s2;
	_ =	strace s9  }
0x27: {  	s1 =	sld [smem:$0x3FAE]  }
0x28: {  	s2 =	sld [smem:$0x3FAF]  }
0x29: {  	s4 =	sld [smem:$0x3FB1]  }
0x2a: {  	p0 =	seq.s32 s5, $0x0;
	s5 =	sld [smem:$0x3FB2]  }
0x2b: {  	s6 =	sld [smem:$0x3FB3]  }
0x2c: {  	s7 =	sld [smem:$0x3FB4]  }
0x2d: {  	s3 =	simm.s32 $0x108;
	s8 =	sld [smem:$0x3FB5]  }
0x2e: {  	s3 =	simm.s32 @!p0 $0x1082;
	s9 =	sld [smem:$0x3FB6]  }
0x2f: {  	lr =	sadd.s32 s0, s3;
	s0 =	sld [smem:$0x3FAD]  }
0x30: {  	s3 =	sld [smem:$0x3FB0]  }
0x31: {  	[smem:$0x3FB9] =	sst s10  }
0x32: {  	s10 =	sld [smem:$0x3FB7];
	_ =	sdelay $0x3  }
0x33: {  	p0 =	seq.s32 s10, $0x1;
	s10 =	sld [smem:$0x3FB9];
	_ =	sdelay $0x3  }
0x34: {  	[smem:$0x3FB9] =	sst s10  }
0x35: {  	s10 =	sld [smem:$0x3FB8];
	_ =	sdelay $0x3  }
0x36: {  	p1 =	seq.s32 s10, $0x1;
	s10 =	sld [smem:$0x3FB9];
	_ =	sdelay $0x3  }
0x37: {  	[smem:$0x3FB9] =	sst s10  }
0x38: {  	s10 =	sld [smem:$0x3FBA]  }
0x39: {  	_ = 	snop;
	(pc) =	sbr.ind lr, $3  }
0x3a: {  	_ = 	snop  }
0x3b: {  	_ = 	snop  }
0x3c: {  	p2 =	seq.s32 s10, $0x1;
	s10 =	sld [smem:$0x3FB9]  }
0x3d: {  	_ =	shalt  }
0x3e: {  	_ =	shalt  }
0x3f: {  	_ =	shalt  }
0x40: {  	_ =	shalt  }
0x41: {  	_ =	shalt  }
0x42: {  	_ =	shalt  }
0x43: {  	_ =	shalt  }
0x44: {  	_ =	shalt  }
0x45: {  	_ =	shalt  }
0x46: {  	_ =	shalt  }
0x47: {  	_ =	shalt  }
0x48: {  	_ =	shalt  }
0x49: {  	_ =	shalt  }
0x4a: {  	_ =	shalt  }
0x4b: {  	_ =	shalt  }
0x4c: {  	_ =	shalt  }
0x4d: {  	_ =	shalt  }
0x4e: {  	_ =	shalt  }
0x4f: {  	_ =	shalt  }
0x50: {  	_ =	shalt  }
0x51: {  	_ =	shalt  }
0x52: {  	_ =	shalt  }
0x53: {  	_ =	shalt  }
0x54: {  	_ =	shalt  }
0x55: {  	_ =	shalt  }
0x56: {  	_ =	shalt  }
0x57: {  	_ =	shalt  }
0x58: {  	_ =	shalt  }
0x59: {  	_ =	shalt  }
0x5a: {  	_ =	shalt  }
0x5b: {  	_ =	shalt  }
0x5c: {  	_ =	shalt  }
0x5d: {  	_ =	shalt  }
0x5e: {  	_ =	shalt  }
0x5f: {  	_ =	shalt  }
0x60: {  	_ =	shalt  }
0x61: {  	_ =	shalt  }
0x62: {  	_ =	shalt  }
0x63: {  	_ =	shalt  }
0x64: {  	_ =	shalt  }
0x65: {  	_ =	shalt  }
0x66: {  	_ =	shalt  }
0x67: {  	_ =	shalt  }
0x68: {  	_ =	shalt  }
0x69: {  	_ =	shalt  }
0x6a: {  	_ =	shalt  }
0x6b: {  	_ =	shalt  }
0x6c: {  	_ =	shalt  }
0x6d: {  	_ =	shalt  }
0x6e: {  	_ =	shalt  }
0x6f: {  	_ =	shalt  }
0x70: {  	_ =	shalt  }
0x71: {  	_ =	shalt  }
0x72: {  	_ =	shalt  }
0x73: {  	_ =	shalt  }
0x74: {  	_ =	shalt  }
0x75: {  	_ =	shalt  }
0x76: {  	_ =	shalt  }
0x77: {  	_ =	shalt  }
0x78: {  	_ =	shalt  }
0x79: {  	_ =	shalt  }
0x7a: {  	_ =	shalt  }
0x7b: {  	_ =	shalt  }
0x7c: {  	_ =	shalt  }
0x7d: {  	_ =	shalt  }
0x7e: {  	_ =	shalt  }
0x7f: {  	_ =	shalt  }
0x80: {  	_ =	shalt  }
0x81: {  	_ =	shalt  }
0x82: {  	_ =	shalt  }
0x83: {  	_ =	shalt  }
0x84: {  	_ =	shalt  }
0x85: {  	_ =	shalt  }
0x86: {  	_ =	shalt  }
0x87: {  	_ =	shalt  }
.Lfunc_end0:
.L_simem_size_0:
called_computation_lowered:
.L_overlay_start_0:
0x88: {  	s2 =	sld [smem:$0x3FD9]  }
0x89: {  	s3 =	sld [smem:$0x3FFE];
	_ =	sdelay $0x1  }
0x8a: {  	s1 =	srdreg.scid  }
0x8b: {  	s0 =	sand.u32 $0x1, s1  }
0x8c: {  	s18 =	sshll.u32 s0, $0xA;
	s2 =	sadd.s32 s3, s2  }
0x8d: {  	s2 =	sadd.s32 s2, s18  }
0x8e: {  	[smem:$0x3FC5] =	sst s2  }
0x8f: {  	_ = 	snop  }
0x90: {  	s2 =	sld [smem:$0x3FC9]  }
0x91: {  	s19 =	sld [smem:$0x3FC8]  }
0x92: {  	s4 =	sld [smem:$0x3FC7]  }
0x93: {  	s5 =	sld [smem:$0x3FD0];
	(tm) =	ssettm $0x1  }
0x94: {  	s6 =	sld [smem:$0x3FFB];
	_ =	sdelay $0x3  }
0x95: {  	_ =	strace s6  }
0x96: {  	s6 =	sld [smem:$0x3FFC];
	_ =	sdelay $0x3  }
0x97: {  	_ =	strace s6  }
0x98: {  	s6 =	sld [smem:$0x3FFD];
	_ =	sdelay $0x3  }
0x99: {  	_ =	strace s6  }
0x9a: {  	_ =	strace $0x8FFFFFFF  }
0x9b: {  	s20 =	sld [smem:$0x3FDB];
	_ =	sdelay $0x1  }
0x9c: {  	s7 =	simm.s32 $_scs_section_size  }
0x9d: {  	s8 =	simm.s32 $_size__tile_overlayer_lowered;
	s9 =	simm.s32 $_tile_overlayer_lowered  }
0x9e: {  	s23 =	simm.s32 $0x1BFF;
	s22 =	sshll.u32 s9, $0x1;
	s6 =	sadd.s32 s7, s20  }
0x9f: {  	s10 =	simm.s32 $0x0;
	s21 =	sshll.u32 s8, $0x1;
	s8 =	sadd.s32 s22, s6  }
0xa0: {  	[timem:s10], [sflag:s23] =	dma.local [hbm:s8], s21  }
0xa1: {  	_ =	swait.ge [sflag:s23], s21  }
0xa2: {  	s7 =	ssub.s32 $0x0, s21;
	[sflag:s23] =	ssyncset.done $0x0  }
0xa3: {  	[sflag:s23] =	ssyncadd.s32 s7;
	_ =	sdelay $0x1  }
0xa4: {  	s24 =	simm.s32 $0x1B8B  }
0xa5: {  	_ =	swait.ge [sflag:s24], $0x1  }
0xa6: {  	[sflag:s24] =	ssyncset.done $0x0  }
0xa7: {  	s25 =	simm.s32 $0x1B8E;
	[sflag:s24] =	ssyncadd.s32 $0xFFFFFFFF  }
0xa8: {  	s26 =	simm.s32 $execute0_lowered;
	[smem:$0x3FD2] =	sst s25  }
0xa9: {  	s7 =	sshll.u32 s26, $0x1;
	_ =	strace $0x80000046;
	[dreg:$0x1] =	wrdreg $0xFFFFFFFF  }
0xaa: {  	s28 =	simm.s32 $_size_execute0_lowered;
	s6 =	sadd.s32 s6, s7;
	[dreg:$0x0] =	wrdreg $0x0  }
0xab: {  	s7 =	sshll.u32 s28, $0x1;
	[dreg:$0x2] =	wrdreg s6  }
0xac: {  	[dreg:$0x3] =	wrdreg s7  }
0xad: {  	[dreg:$0x4] =	wrdreg $0xC0  }
0xae: {  	_ =	task [dreg:s10], $0x5FFFF  }
0xaf: {  	[dreg:$0x1] =	wrdreg $0xFFFFFFFF  }
0xb0: {  	[dreg:$0x0] =	wrdreg $0x60  }
0xb1: {  	[dreg:$0x2] =	wrdreg s2  }
0xb2: {  	[dreg:$0x3] =	wrdreg s19  }
0xb3: {  	[dreg:$0x4] =	wrdreg s4  }
0xb4: {  	[dreg:$0x5] =	wrdreg s5  }
0xb5: {  	[dreg:$0x6] =	wrdreg $0x9  }
0xb6: {  	_ =	task.clear_ibuf [dreg:s10], $0x7FFFF;
	_ =	strace $0x90000046  }
0xb7: {  	s29 =	simm.s32 $0x9;
	_ =	strace $0x80000048  }
0xb8: {  	_ =	swait.ge [sflag:s29], $0x1  }
0xb9: {  	[sflag:s29] =	ssyncadd.s32 $0xFFFFFFFF  }
0xba: {  	_ =	strace $0x90000048  }
0xbb: {  	_ =	sfence  }
0xbc: {  	s30 =	sld [smem:$0x0];
	_ =	sdelay $0x2  }
0xbd: {  	s31 =	sshll.u32 s1, $0xD;
	s1 =	sshrl.u32 s1, $0x2  }
0xbe: {  	s3 =	sand.u32 $0x4000, s31;
	s1 =	sadd.s32 s1, s30  }
0xbf: {  	s0 =	sor.u32 s3, s0;
	s1 =	sshll.u32 s1, $0x11  }
0xc0: {  	s0 =	sor.u32 s1, s0  }
0xc1: {  	s0 =	sadd.s32 $0x8F2B, s0  }
0xc2: {  	[sflag:s0] =	ssyncadd.remote.s32 $0x1  }
0xc3: {  	_ =	sfence.sel $0xFFFF  }
0xc4: {  	[dreg:$0x0] =	wrdreg $0xFFFFFFFF;
	(pc) =	sbr.abs _section_cstart, $3  }
0xc5: {  	[dreg:$0x1] =	wrdreg $0xFFFFFFFF  }
0xc6: {  	_ =	task.clear_ibuf [dreg:s10], $0x2FFFF;
	_ =	strace $0x9FFFFFFF  }
0xc7: {  	(tm) =	ssettm $0x7FFFFFFF  }
tec
execute0_lowered:
.L_overlay_start_1:
0x0: {  	(tag) =	ssettag $0x1  }
0x1: {  	s0 =	rddreg [dreg:$0x0]  }
0x2: {  	s2 =	rddreg [dreg:$0x1]  }
0x3: {  	s3 =	rddreg [dreg:$0x2]  }
0x4: {  	s1 =	rddreg [dreg:$0x3]  }
0x5: {  	s4 =	srdreg.scid;
	s14 =	stileid.u32;
	s15 =	simm.s32 $0x80  }
0x6: {  	s16 =	simm.s32 $0x3480;
	s17 =	simm.s32 $0x3500;
	s18 =	simm.s32 $0x1  }
0x7: {  	s19 =	simm.s32 $0x3E00;
	s20 =	simm.s32 $0x400;
	s21 =	simm.s32 $0xC3800  }
0x8: {  	s22 =	simm.s32 $0x6E00;
	s31 =	simm.s32 $0x0;
	s10 =	sand.u32 $0x1, s4  }
0x9: {  	s5 =	sshll.u32 s14, $0x1;
	s4 =	simm.s32 $0x0;
	s24 =	sadd.s32 $0x30D0, s0  }
0xa: {  	s8 =	sadd.s32 $0x18680, s1;
	s13 =	sshll.u32 s14, $0x5;
	s25 =	sshll.u32 s14, $0x8  }
0xb: {  	s14 =	simm.s32 $0x5;
	s6 =	ssub.s32 $0x2, s10;
	s12 =	sor.u32 s10, s5  }
0xc: {  	[smem:$0x7FF] =	sst s4;
	s26 =	sshll.u32 s10, $0x4;
	s29 =	sshll.u32 s10, $0x7  }
0xd: {  	s23 =	sshrl.u32 s6, $0x1;
	s7 =	sshll.u32 s12, $0x4;
	_ =	strace $0x80000047  }
0xe: {  	s9 =	sshll.u32 s12, $0x7;
	[dreg:$0x5] =	wrdreg s24;
	s24 =	simm.s32 $0x7200  }
0xf: {  	p0 =	slt.u32 s12, $0xD;
	p1 =	sne.s32 s12, $0xD;
	s11 =	ssub.s32 s6, s23  }
.Ltmp0:
0x10: {  	s5 =	sadd.s32 s0, s7;
	s9 =	sadd.s32 s9, s1;
	(pc) =	sbr.rel .LBB2_1-.Ltmp0, $4  }
0x11: {  	v0 =	vlaneseq.u32;
	s0 =	sadd.s32 s13, s0;
	s1 =	sadd.s32 s25, s1;
	s23 =	simm.s32 $0x2  }
0x12: {  	v1 =	vimm.f32 $0.0e+00;
	v2 =	vor.u32 $0x10, v0;
	s25 =	simm.s32 $0xA200;
	s6 =	sadd.s32 $0x200, s5;
	s9 =	sadd.s32 $0x18000, s9  }
0x13: {  	v3 =	vor.u32 $0x20, v0;
	v4 =	vor.u32 $0x30, v0;
	v5 =	vor.u32 $0x40, v0;
	s10 =	smax.u32 s11, $0x1;
	s11 =	sadd.s32 s26, s0;
	s30 =	sadd.s32 s29, s1  }
0x14: {  	v6 =	vor.u32 $0x50, v0;
	v7 =	vor.u32 $0x60, v0;
	v8 =	vor.u32 $0x70, v0;
	s1 =	sor.u32 $0x20, s12;
	s26 =	simm.s32 $0x3;
	s28 =	sadd.s32 $0x1000, s30  }
.LBB2_12:
0x15: {  	_ =	swait.ge [sflag:s18], $0x80  }
0x16: {  	[sflag:s18] =	ssyncset.done $0x0  }
0x17: {  	[sflag:s18] =	ssyncadd.s32 $0xFFFFFF80  }
0x18: {  	v9 =	vld [tilespmem:$0x3480];
	_ =	sdelay $0x7  }
0x19: {  	v9 =	vld.idx.msk [tilespmem:v9+s4+$0x0], $0xffff;
	_ =	sdelay $0x4  }
0x1a: {  	v10 =	vand.u32 $0xFFFFFF80, v9;
	v11 =	vshll.u32 v9, $0x7  }
0x1b: {  	v12 =	vand.u32 $0x7F, v9;
	v10 =	vadd.s32 v10, v11  }
0x1c: {  	v10 =	vor.u32 v12, v10;
	_ =	sdelay $0x4  }
0x1d: {  	v11 =	vor.u32 v0, v11;
	v10 =	vld.idx.msk [tilespmem:v10+s15+$0x0], $0xffff;
	_ =	sdelay $0x4  }
0x1e: {  	[tilespmem:v11+s19+$0x0] =	vst.idx.msk $0xffff, v10  }
0x1f: {  	v10 =	vld [tilespmem:$0x3490];
	_ =	sdelay $0x6  }
0x20: {  	[tilespmem:$0x3600] =	vst v9  }
0x21: {  	v9 =	vld.idx.msk [tilespmem:v10+s4+$0x0], $0xffff;
	_ =	sdelay $0x4  }
0x22: {  	v10 =	vand.u32 $0xFFFFFF80, v9;
	v11 =	vshll.u32 v9, $0x7  }
0x23: {  	v57 =	vand.u32 $0x7F, v9;
	v10 =	vadd.s32 v10, v11  }
0x24: {  	v10 =	vor.u32 v57, v10;
	_ =	sdelay $0x4  }
0x25: {  	v11 =	vor.u32 v2, v11;
	v10 =	vld.idx.msk [tilespmem:v10+s15+$0x0], $0xffff;
	_ =	sdelay $0x4  }
0x26: {  	[tilespmem:v11+s19+$0x0] =	vst.idx.msk $0xffff, v10  }
0x27: {  	v10 =	vld [tilespmem:$0x34A0];
	_ =	sdelay $0x6  }
0x28: {  	[tilespmem:$0x3680] =	vst v9  }
0x29: {  	v9 =	vld.idx.msk [tilespmem:v10+s4+$0x0], $0xffff;
	_ =	sdelay $0x4  }
0x2a: {  	v10 =	vand.u32 $0xFFFFFF80, v9;
	v11 =	vshll.u32 v9, $0x7  }
0x2b: {  	v58 =	vand.u32 $0x7F, v9;
	v10 =	vadd.s32 v10, v11  }
0x2c: {  	v10 =	vor.u32 v58, v10;
	_ =	sdelay $0x4  }
0x2d: {  	v11 =	vor.u32 v3, v11;
	v10 =	vld.idx.msk [tilespmem:v10+s15+$0x0], $0xffff;
	_ =	sdelay $0x4  }
0x2e: {  	[tilespmem:v11+s19+$0x0] =	vst.idx.msk $0xffff, v10  }
0x2f: {  	v10 =	vld [tilespmem:$0x34B0];
	_ =	sdelay $0x6  }
0x30: {  	[tilespmem:$0x3700] =	vst v9  }
0x31: {  	v9 =	vld.idx.msk [tilespmem:v10+s4+$0x0], $0xffff;
	_ =	sdelay $0x4  }
0x32: {  	v10 =	vand.u32 $0xFFFFFF80, v9;
	v11 =	vshll.u32 v9, $0x7  }
0x33: {  	v59 =	vand.u32 $0x7F, v9;
	v10 =	vadd.s32 v10, v11  }
0x34: {  	v10 =	vor.u32 v59, v10;
	_ =	sdelay $0x4  }
0x35: {  	v11 =	vor.u32 v4, v11;
	v10 =	vld.idx.msk [tilespmem:v10+s15+$0x0], $0xffff;
	_ =	sdelay $0x4  }
0x36: {  	[tilespmem:v11+s19+$0x0] =	vst.idx.msk $0xffff, v10  }
0x37: {  	v10 =	vld [tilespmem:$0x34C0];
	_ =	sdelay $0x6  }
0x38: {  	[tilespmem:$0x3780] =	vst v9  }
0x39: {  	v9 =	vld.idx.msk [tilespmem:v10+s4+$0x0], $0xffff;
	_ =	sdelay $0x4  }
0x3a: {  	v10 =	vand.u32 $0xFFFFFF80, v9;
	v11 =	vshll.u32 v9, $0x7  }
0x3b: {  	v60 =	vand.u32 $0x7F, v9;
	v10 =	vadd.s32 v10, v11  }
0x3c: {  	v10 =	vor.u32 v60, v10;
	_ =	sdelay $0x4  }
0x3d: {  	v11 =	vor.u32 v5, v11;
	v10 =	vld.idx.msk [tilespmem:v10+s15+$0x0], $0xffff;
	_ =	sdelay $0x4  }
0x3e: {  	[tilespmem:v11+s19+$0x0] =	vst.idx.msk $0xffff, v10  }
0x3f: {  	v10 =	vld [tilespmem:$0x34D0];
	_ =	sdelay $0x6  }
0x40: {  	[tilespmem:$0x3800] =	vst v9  }
0x41: {  	v9 =	vld.idx.msk [tilespmem:v10+s4+$0x0], $0xffff;
	_ =	sdelay $0x4  }
0x42: {  	v10 =	vand.u32 $0xFFFFFF80, v9;
	v11 =	vshll.u32 v9, $0x7  }
0x43: {  	v61 =	vand.u32 $0x7F, v9;
	v10 =	vadd.s32 v10, v11  }
0x44: {  	v10 =	vor.u32 v61, v10;
	_ =	sdelay $0x4  }
0x45: {  	v11 =	vor.u32 v6, v11;
	v10 =	vld.idx.msk [tilespmem:v10+s15+$0x0], $0xffff;
	_ =	sdelay $0x4  }
0x46: {  	[tilespmem:v11+s19+$0x0] =	vst.idx.msk $0xffff, v10  }
0x47: {  	v10 =	vld [tilespmem:$0x34E0];
	_ =	sdelay $0x6  }
0x48: {  	[tilespmem:$0x3880] =	vst v9  }
0x49: {  	v9 =	vld.idx.msk [tilespmem:v10+s4+$0x0], $0xffff;
	_ =	sdelay $0x4  }
0x4a: {  	v10 =	vand.u32 $0xFFFFFF80, v9;
	v11 =	vshll.u32 v9, $0x7  }
0x4b: {  	v62 =	vand.u32 $0x7F, v9;
	v10 =	vadd.s32 v10, v11  }
0x4c: {  	v10 =	vor.u32 v62, v10;
	_ =	sdelay $0x4  }
0x4d: {  	v11 =	vor.u32 v7, v11;
	v10 =	vld.idx.msk [tilespmem:v10+s15+$0x0], $0xffff;
	_ =	sdelay $0x4  }
0x4e: {  	[tilespmem:v11+s19+$0x0] =	vst.idx.msk $0xffff, v10  }
0x4f: {  	v10 =	vld [tilespmem:$0x34F0];
	_ =	sdelay $0x6  }
0x50: {  	[tilespmem:$0x3900] =	vst v9  }
0x51: {  	v9 =	vld.idx.msk [tilespmem:v10+s4+$0x0], $0xffff;
	_ =	sdelay $0x4  }
0x52: {  	v10 =	vand.u32 $0xFFFFFF80, v9;
	v11 =	vshll.u32 v9, $0x7  }
0x53: {  	v63 =	vand.u32 $0x7F, v9;
	v10 =	vadd.s32 v10, v11  }
0x54: {  	v10 =	vor.u32 v63, v10;
	_ =	sdelay $0x4  }
0x55: {  	v11 =	vor.u32 v8, v11;
	v10 =	vld.idx.msk [tilespmem:v10+s15+$0x0], $0xffff;
	_ =	sdelay $0x4  }
0x56: {  	[tilespmem:v11+s19+$0x0] =	vst.idx.msk $0xffff, v10  }
0x57: {  	[tilespmem:$0x3980] =	vst v9  }
0x58: {  	[hbm4b:s9+s20] =	stream.strided.scatter [tilespmem:s19], [sflag:$0x3], $0x3000, s21, s20, $0x38;
	[tilespmem:$0xDA00] =	vst v63  }
0x59: {  	s0 =	sadd.s32 $0x125400, s9  }
0x5a: {  	[hbm4b:s0+s4] =	stream.linear.scatter [tilespmem:s22], [sflag:$0x3], $0x200, $0x38;
	[tilespmem:$0xDA00] =	vst v63  }
0x5b: {  	s12 =	simm.s32 $0x3;
	s0 =	simm.s32 $0x4  }
.LBB2_13:
0x5c: {  	_ =	swait.ge [sflag:s0], $0x3200  }
0x5d: {  	[sflag:s0] =	ssyncset.done $0x0  }
0x5e: {  	[sflag:s0] =	ssyncadd.s32 $0xFFFFCE00  }
.LBB2_14:
0x5f: {  	s31 =	sadd.s32 $0x1, s31  }
0x60: {  	p2 =	sne.s32 s31, s10  }
.Ltmp1:
0x61: {  	_ = 	snop;
	(pc) =	sbr.rel @!p2 .LBB2_15-.Ltmp1, $4  }
0x62: {  	_ = 	snop  }
0x63: {  	_ =	swait.ge [sflag:s12], $0x3200  }
0x64: {  	[sflag:s12] =	ssyncset.done $0x0  }
0x65: {  	[sflag:s12] =	ssyncadd.s32 $0xFFFFCE00  }
.LBB2_1:
0x66: {  	[tilespmem:s4], [sflag:$0x5] =	stream.linear.gather [hbm4b:s2+s4], $0x78, $0x38;
	[tilespmem:$0xDA00] =	vst v63  }
0x67: {  	_ =	swait.ge [sflag:s14], $0x78  }
0x68: {  	[sflag:s14] =	ssyncset.done $0x0  }
0x69: {  	[sflag:s14] =	ssyncadd.s32 $0xFFFFFF88  }
0x6a: {  	[tilespmem:s15], [sflag:$0x5] =	stream.linear.gather [hbm4b:s3+s4], $0x3200, $0x38;
	[tilespmem:$0xDA00] =	vst v63  }
0x6b: {  	_ =	swait.ge [sflag:s14], $0x3200  }
0x6c: {  	[sflag:s14] =	ssyncset.done $0x0  }
0x6d: {  	s0 =	simm.s32 $0x0;
	s12 =	simm.s32 $0x200;
	[sflag:s14] =	ssyncadd.s32 $0xFFFFCE00  }
.LBB2_2:
0x6e: {  	p2 =	sne.s32 s12, $0xC600;
	[tilespmem:s0+$0x3E70] =	vst v1  }
0x6f: {  	[tilespmem:s0+$0x3E00] =	vst v1  }
0x70: {  	[tilespmem:s0+$0x3E10] =	vst v1  }
.Ltmp2:
0x71: {  	[tilespmem:s0+$0x3E20] =	vst v1;
	(pc) =	sbr.rel @p2 .LBB2_2-.Ltmp2, $4  }
0x72: {  	[tilespmem:s0+$0x3E30] =	vst v1  }
0x73: {  	[tilespmem:s0+$0x3E40] =	vst v1  }
0x74: {  	[tilespmem:s0+$0x3E50] =	vst v1  }
0x75: {  	[tilespmem:s0+$0x3E60] =	vst v1;
	s0 =	sshra.s32 s12, $0x2;
	s12 =	sadd.s32 $0x200, s12  }
0x76: {  	[tilespmem:s0+$0x3E70] =	vst v1  }
0x77: {  	[tilespmem:s0+$0x3E00] =	vst v1  }
0x78: {  	[tilespmem:s0+$0x3E10] =	vst v1  }
0x79: {  	[tilespmem:s0+$0x3E20] =	vst v1  }
0x7a: {  	[tilespmem:s0+$0x3E30] =	vst v1  }
0x7b: {  	[tilespmem:s0+$0x3E40] =	vst v1  }
0x7c: {  	[tilespmem:s0+$0x3E50] =	vst v1  }
0x7d: {  	[tilespmem:s0+$0x3E60] =	vst v1;
	s0 =	simm.s32 $0x0;
	s12 =	simm.s32 $0x200  }
.LBB2_4:
0x7e: {  	p2 =	sne.s32 s12, $0xC600;
	[tilespmem:s0+$0x7270] =	vst v1  }
0x7f: {  	[tilespmem:s0+$0x7200] =	vst v1  }
0x80: {  	[tilespmem:s0+$0x7210] =	vst v1  }
.Ltmp3:
0x81: {  	[tilespmem:s0+$0x7220] =	vst v1;
	(pc) =	sbr.rel @p2 .LBB2_4-.Ltmp3, $4  }
0x82: {  	[tilespmem:s0+$0x7230] =	vst v1  }
0x83: {  	[tilespmem:s0+$0x7240] =	vst v1  }
0x84: {  	[tilespmem:s0+$0x7250] =	vst v1  }
0x85: {  	[tilespmem:s0+$0x7260] =	vst v1;
	s0 =	sshra.s32 s12, $0x2;
	s12 =	sadd.s32 $0x200, s12  }
0x86: {  	[tilespmem:s0+$0x7270] =	vst v1  }
0x87: {  	[tilespmem:s0+$0x7200] =	vst v1  }
0x88: {  	[tilespmem:s0+$0x7210] =	vst v1  }
0x89: {  	[tilespmem:s0+$0x7220] =	vst v1  }
0x8a: {  	[tilespmem:s0+$0x7230] =	vst v1  }
0x8b: {  	[tilespmem:s0+$0x7240] =	vst v1  }
0x8c: {  	[tilespmem:s0+$0x7250] =	vst v1  }
0x8d: {  	[tilespmem:s0+$0x7260] =	vst v1;
	s0 =	simm.s32 $0x200;
	s12 =	simm.s32 $0x0  }
.LBB2_6:
0x8e: {  	p2 =	sne.s32 s0, $0xC600;
	[tilespmem:s12+$0xA600] =	vst v1;
	s13 =	smov.u32 s0;
	s0 =	sadd.s32 $0x200, s0  }
.Ltmp4:
0x8f: {  	[tilespmem:s12+$0xA610] =	vst v1;
	(pc) =	sbr.rel @p2 .LBB2_6-.Ltmp4, $2  }
0x90: {  	_ =	sdelay $0x2  }
0x91: {  	s12 =	sshra.s32 s13, $0x2  }
0x92: {  	[tilespmem:s12+$0xA600] =	vst v1  }
0x93: {  	[tilespmem:s12+$0xA610] =	vst v1;
	s0 =	simm.s32 $0x0  }
0x94: {  	[tilespmem:s16], [sflag:$0x1] =	stream.linear.gather [hbm4b:s5+s0], $0x80, $0x38;
	[tilespmem:$0xDA00] =	vst v63  }
0x95: {  	s13 =	smov.u32 s1;
	s12 =	smov.u32 s28  }
0x96: {  	[tilespmem:s17], [sflag:$0x2] =	stream.linear.gather [hbm4b:s6+s0], $0x80, $0x38;
	[tilespmem:$0xDA00] =	vst v63  }
.LBB2_8:
0x97: {  	p2 =	seq.s32 s0, $0x0  }
0x98: {  	s30 =	simm.s32 @!p2 $0x3  }
0x99: {  	_ =	swait.ge @!p2 [sflag:s30], $0x3200  }
0x9a: {  	[sflag:s30] =	ssyncset.done @!p2 $0x0  }
0x9b: {  	[sflag:s30] =	ssyncadd.s32 @!p2 $0xFFFFCE00  }
0x9c: {  	v9 =	vld @!p2 [tilespmem:$0x3600];
	_ =	sdelay $0x4  }
0x9d: {  	v10 =	vlaneseq.u32 @!p2;
	v9 =	vshll.u32 @!p2 v9, $0x7  }
0x9e: {  	v11 =	vor.u32 @!p2 v10, v9;
	_ =	sdelay $0x3  }
0x9f: {  	s30 =	simm.s32 @!p2 $0x3E00;
	v9 =	vimm.f32 @!p2 $0.0e+00  }
0xa0: {  	[tilespmem:v11+s30+$0x0] =	vst.idx.msk @!p2 $0xffff, v9  }
0xa1: {  	v11 =	vld @!p2 [tilespmem:$0x3680];
	_ =	sdelay $0x4  }
0xa2: {  	v12 =	vshll.u32 @!p2 v11, $0x7;
	v11 =	vor.u32 @!p2 $0x10, v10  }
0xa3: {  	v12 =	vor.u32 @!p2 v11, v12;
	_ =	sdelay $0x4  }
0xa4: {  	[tilespmem:v12+s30+$0x0] =	vst.idx.msk @!p2 $0xffff, v9  }
0xa5: {  	v12 =	vld @!p2 [tilespmem:$0x3700];
	_ =	sdelay $0x4  }
0xa6: {  	v13 =	vshll.u32 @!p2 v12, $0x7;
	v12 =	vor.u32 @!p2 $0x20, v10  }
0xa7: {  	v13 =	vor.u32 @!p2 v12, v13;
	_ =	sdelay $0x4  }
0xa8: {  	[tilespmem:v13+s30+$0x0] =	vst.idx.msk @!p2 $0xffff, v9  }
0xa9: {  	v13 =	vld @!p2 [tilespmem:$0x3780];
	_ =	sdelay $0x4  }
0xaa: {  	v14 =	vshll.u32 @!p2 v13, $0x7;
	v13 =	vor.u32 @!p2 $0x30, v10  }
0xab: {  	v14 =	vor.u32 @!p2 v13, v14;
	_ =	sdelay $0x4  }
0xac: {  	[tilespmem:v14+s30+$0x0] =	vst.idx.msk @!p2 $0xffff, v9  }
0xad: {  	v14 =	vld @!p2 [tilespmem:$0x3800];
	_ =	sdelay $0x4  }
0xae: {  	v15 =	vshll.u32 @!p2 v14, $0x7;
	v14 =	vor.u32 @!p2 $0x40, v10  }
0xaf: {  	v15 =	vor.u32 @!p2 v14, v15;
	_ =	sdelay $0x4  }
0xb0: {  	[tilespmem:v15+s30+$0x0] =	vst.idx.msk @!p2 $0xffff, v9  }
0xb1: {  	v15 =	vld @!p2 [tilespmem:$0x3880];
	_ =	sdelay $0x4  }
0xb2: {  	v16 =	vshll.u32 @!p2 v15, $0x7;
	v15 =	vor.u32 @!p2 $0x50, v10  }
0xb3: {  	v16 =	vor.u32 @!p2 v15, v16;
	_ =	sdelay $0x4  }
0xb4: {  	[tilespmem:v16+s30+$0x0] =	vst.idx.msk @!p2 $0xffff, v9  }
0xb5: {  	v16 =	vld @!p2 [tilespmem:$0x3900];
	_ =	sdelay $0x4  }
0xb6: {  	v17 =	vshll.u32 @!p2 v16, $0x7;
	v16 =	vor.u32 @!p2 $0x60, v10  }
0xb7: {  	v17 =	vor.u32 @!p2 v16, v17;
	_ =	sdelay $0x4  }
0xb8: {  	[tilespmem:v17+s30+$0x0] =	vst.idx.msk @!p2 $0xffff, v9  }
0xb9: {  	v17 =	vld @!p2 [tilespmem:$0x3980];
	_ =	sdelay $0x4  }
0xba: {  	v18 =	vshll.u32 @!p2 v17, $0x7;
	v17 =	vor.u32 @!p2 $0x70, v10  }
0xbb: {  	v18 =	vor.u32 @!p2 v17, v18;
	_ =	sdelay $0x4  }
0xbc: {  	[tilespmem:v18+s30+$0x0] =	vst.idx.msk @!p2 $0xffff, v9  }
0xbd: {  	_ =	swait.ge [sflag:s18], $0x80  }
0xbe: {  	[sflag:s18] =	ssyncset.done $0x0  }
0xbf: {  	[sflag:s18] =	ssyncadd.s32 $0xFFFFFF80  }
0xc0: {  	v41 =	vld [tilespmem:$0x3480];
	_ =	sdelay $0x7  }
0xc1: {  	v18 =	vld.idx.msk [tilespmem:v41+s4+$0x0], $0xffff;
	_ =	sdelay $0x4  }
0xc2: {  	v19 =	vand.u32 $0xFFFFFF80, v18;
	v20 =	vshll.u32 v18, $0x7  }
0xc3: {  	v21 =	vand.u32 $0x7F, v18;
	v19 =	vadd.s32 v19, v20  }
0xc4: {  	v19 =	vor.u32 v21, v19;
	_ =	sdelay $0x4  }
0xc5: {  	v20 =	vor.u32 v0, v20;
	v19 =	vld.idx.msk [tilespmem:v19+s15+$0x0], $0xffff;
	_ =	sdelay $0x4  }
0xc6: {  	[tilespmem:v20+s19+$0x0] =	vst.idx.msk $0xffff, v19  }
0xc7: {  	v19 =	vld [tilespmem:$0x3490];
	_ =	sdelay $0x6  }
0xc8: {  	[tilespmem:$0x3600] =	vst v18  }
0xc9: {  	v18 =	vld.idx.msk [tilespmem:v19+s4+$0x0], $0xffff;
	_ =	sdelay $0x4  }
0xca: {  	v19 =	vand.u32 $0xFFFFFF80, v18;
	v42 =	vshll.u32 v18, $0x7  }
0xcb: {  	v43 =	vand.u32 $0x7F, v18;
	v19 =	vadd.s32 v19, v42  }
0xcc: {  	v19 =	vor.u32 v43, v19;
	_ =	sdelay $0x4  }
0xcd: {  	v20 =	vor.u32 v2, v42;
	v19 =	vld.idx.msk [tilespmem:v19+s15+$0x0], $0xffff;
	_ =	sdelay $0x4  }
0xce: {  	[tilespmem:v20+s19+$0x0] =	vst.idx.msk $0xffff, v19  }
0xcf: {  	v19 =	vld [tilespmem:$0x34A0];
	_ =	sdelay $0x6  }
0xd0: {  	[tilespmem:$0x3680] =	vst v18  }
0xd1: {  	v18 =	vld.idx.msk [tilespmem:v19+s4+$0x0], $0xffff;
	_ =	sdelay $0x4  }
0xd2: {  	v19 =	vand.u32 $0xFFFFFF80, v18;
	v44 =	vshll.u32 v18, $0x7  }
0xd3: {  	v45 =	vand.u32 $0x7F, v18;
	v19 =	vadd.s32 v19, v44  }
0xd4: {  	v19 =	vor.u32 v45, v19;
	_ =	sdelay $0x4  }
0xd5: {  	v20 =	vor.u32 v3, v44;
	v19 =	vld.idx.msk [tilespmem:v19+s15+$0x0], $0xffff;
	_ =	sdelay $0x4  }
0xd6: {  	[tilespmem:v20+s19+$0x0] =	vst.idx.msk $0xffff, v19  }
0xd7: {  	v19 =	vld [tilespmem:$0x34B0];
	_ =	sdelay $0x6  }
0xd8: {  	[tilespmem:$0x3700] =	vst v18  }
0xd9: {  	v18 =	vld.idx.msk [tilespmem:v19+s4+$0x0], $0xffff;
	_ =	sdelay $0x4  }
0xda: {  	v19 =	vand.u32 $0xFFFFFF80, v18;
	v46 =	vshll.u32 v18, $0x7  }
0xdb: {  	v47 =	vand.u32 $0x7F, v18;
	v19 =	vadd.s32 v19, v46  }
0xdc: {  	v19 =	vor.u32 v47, v19;
	_ =	sdelay $0x4  }
0xdd: {  	v20 =	vor.u32 v4, v46;
	v19 =	vld.idx.msk [tilespmem:v19+s15+$0x0], $0xffff;
	_ =	sdelay $0x4  }
0xde: {  	[tilespmem:v20+s19+$0x0] =	vst.idx.msk $0xffff, v19  }
0xdf: {  	v19 =	vld [tilespmem:$0x34C0];
	_ =	sdelay $0x6  }
0xe0: {  	[tilespmem:$0x3780] =	vst v18  }
0xe1: {  	v18 =	vld.idx.msk [tilespmem:v19+s4+$0x0], $0xffff;
	_ =	sdelay $0x4  }
0xe2: {  	v19 =	vand.u32 $0xFFFFFF80, v18;
	v48 =	vshll.u32 v18, $0x7  }
0xe3: {  	v49 =	vand.u32 $0x7F, v18;
	v19 =	vadd.s32 v19, v48  }
0xe4: {  	v19 =	vor.u32 v49, v19;
	_ =	sdelay $0x4  }
0xe5: {  	v20 =	vor.u32 v5, v48;
	v19 =	vld.idx.msk [tilespmem:v19+s15+$0x0], $0xffff;
	_ =	sdelay $0x4  }
0xe6: {  	[tilespmem:v20+s19+$0x0] =	vst.idx.msk $0xffff, v19  }
0xe7: {  	v19 =	vld [tilespmem:$0x34D0];
	_ =	sdelay $0x6  }
0xe8: {  	[tilespmem:$0x3800] =	vst v18  }
0xe9: {  	v18 =	vld.idx.msk [tilespmem:v19+s4+$0x0], $0xffff;
	_ =	sdelay $0x4  }
0xea: {  	v19 =	vand.u32 $0xFFFFFF80, v18;
	v50 =	vshll.u32 v18, $0x7  }
0xeb: {  	v51 =	vand.u32 $0x7F, v18;
	v19 =	vadd.s32 v19, v50  }
0xec: {  	v19 =	vor.u32 v51, v19;
	_ =	sdelay $0x4  }
0xed: {  	v20 =	vor.u32 v6, v50;
	v19 =	vld.idx.msk [tilespmem:v19+s15+$0x0], $0xffff;
	_ =	sdelay $0x4  }
0xee: {  	[tilespmem:v20+s19+$0x0] =	vst.idx.msk $0xffff, v19  }
0xef: {  	v19 =	vld [tilespmem:$0x34E0];
	_ =	sdelay $0x6  }
0xf0: {  	[tilespmem:$0x3880] =	vst v18  }
0xf1: {  	v18 =	vld.idx.msk [tilespmem:v19+s4+$0x0], $0xffff;
	_ =	sdelay $0x4  }
0xf2: {  	v19 =	vand.u32 $0xFFFFFF80, v18;
	v52 =	vshll.u32 v18, $0x7  }
0xf3: {  	v53 =	vand.u32 $0x7F, v18;
	v19 =	vadd.s32 v19, v52  }
0xf4: {  	v19 =	vor.u32 v53, v19;
	_ =	sdelay $0x4  }
0xf5: {  	v20 =	vor.u32 v7, v52;
	v19 =	vld.idx.msk [tilespmem:v19+s15+$0x0], $0xffff;
	_ =	sdelay $0x4  }
0xf6: {  	[tilespmem:v20+s19+$0x0] =	vst.idx.msk $0xffff, v19  }
0xf7: {  	v19 =	vld [tilespmem:$0x34F0];
	_ =	sdelay $0x6  }
0xf8: {  	[tilespmem:$0x3900] =	vst v18  }
0xf9: {  	v18 =	vld.idx.msk [tilespmem:v19+s4+$0x0], $0xffff;
	_ =	sdelay $0x4  }
0xfa: {  	v19 =	vand.u32 $0xFFFFFF80, v18;
	v54 =	vshll.u32 v18, $0x7  }
0xfb: {  	v55 =	vand.u32 $0x7F, v18;
	v19 =	vadd.s32 v19, v54  }
0xfc: {  	v19 =	vor.u32 v55, v19;
	_ =	sdelay $0x4  }
0xfd: {  	v20 =	vor.u32 v8, v54;
	v19 =	vld.idx.msk [tilespmem:v19+s15+$0x0], $0xffff;
	_ =	sdelay $0x4  }
0xfe: {  	[tilespmem:v20+s19+$0x0] =	vst.idx.msk $0xffff, v19  }
0xff: {  	s7 =	sadd.s32 $0xFFFFF000, s12;
	s29 =	sadd.s32 $0xFFFFFFE0, s13;
	[tilespmem:$0x3980] =	vst v18  }
0x100: {  	[hbm4b:s7+s20] =	stream.strided.scatter [tilespmem:s19], [sflag:$0x3], $0x3000, s21, s20, $0x38;
	[tilespmem:$0xDA00] =	vst v63  }
0x101: {  	p3 =	sgt.u32 s29, $0x2CC;
	s7 =	sadd.s32 $0x124400, s12  }
0x102: {  	[hbm4b:s7+s4] =	stream.linear.scatter [tilespmem:s22], [sflag:$0x3], $0x200, $0x38;
	[tilespmem:$0xDA00] =	vst v63  }
0x103: {  	s7 =	sadd.s32 @!p3 s0, s11  }
0x104: {  	s29 =	simm.s32 @!p3 $0x3480;
	s30 =	simm.s32 @!p3 $0x0;
	s7 =	sadd.s32 @!p3 $0x400, s7  }
0x105: {  	[tilespmem:s29], [sflag:$0x1] =	stream.linear.gather @!p3 [hbm4b:s7+s30], $0x80, $0x38;
	[tilespmem:$0xDA00] =	vst v63  }
0x106: {  	s7 =	simm.s32 @!p2 $0x4  }
0x107: {  	_ =	swait.ge @!p2 [sflag:s7], $0x3200  }
0x108: {  	[sflag:s7] =	ssyncset.done @!p2 $0x0  }
0x109: {  	[sflag:s7] =	ssyncadd.s32 @!p2 $0xFFFFCE00  }
0x10a: {  	v18 =	vld @!p2 [tilespmem:$0x3A00];
	_ =	sdelay $0x4  }
0x10b: {  	v18 =	vshll.u32 @!p2 v18, $0x7  }
0x10c: {  	v10 =	vor.u32 @!p2 v10, v18;
	_ =	sdelay $0x3  }
0x10d: {  	s7 =	simm.s32 @!p2 $0x7200  }
0x10e: {  	[tilespmem:v10+s7+$0x0] =	vst.idx.msk @!p2 $0xffff, v9  }
0x10f: {  	v10 =	vld @!p2 [tilespmem:$0x3A80];
	_ =	sdelay $0x4  }
0x110: {  	v10 =	vshll.u32 @!p2 v10, $0x7  }
0x111: {  	v10 =	vor.u32 @!p2 v11, v10;
	_ =	sdelay $0x4  }
0x112: {  	[tilespmem:v10+s7+$0x0] =	vst.idx.msk @!p2 $0xffff, v9  }
0x113: {  	v10 =	vld @!p2 [tilespmem:$0x3B00];
	_ =	sdelay $0x4  }
0x114: {  	v10 =	vshll.u32 @!p2 v10, $0x7  }
0x115: {  	v10 =	vor.u32 @!p2 v12, v10;
	_ =	sdelay $0x4  }
0x116: {  	[tilespmem:v10+s7+$0x0] =	vst.idx.msk @!p2 $0xffff, v9  }
0x117: {  	v10 =	vld @!p2 [tilespmem:$0x3B80];
	_ =	sdelay $0x4  }
0x118: {  	v10 =	vshll.u32 @!p2 v10, $0x7  }
0x119: {  	v10 =	vor.u32 @!p2 v13, v10;
	_ =	sdelay $0x4  }
0x11a: {  	[tilespmem:v10+s7+$0x0] =	vst.idx.msk @!p2 $0xffff, v9  }
0x11b: {  	v10 =	vld @!p2 [tilespmem:$0x3C00];
	_ =	sdelay $0x4  }
0x11c: {  	v10 =	vshll.u32 @!p2 v10, $0x7  }
0x11d: {  	v10 =	vor.u32 @!p2 v14, v10;
	_ =	sdelay $0x4  }
0x11e: {  	[tilespmem:v10+s7+$0x0] =	vst.idx.msk @!p2 $0xffff, v9  }
0x11f: {  	v10 =	vld @!p2 [tilespmem:$0x3C80];
	_ =	sdelay $0x4  }
0x120: {  	v10 =	vshll.u32 @!p2 v10, $0x7  }
0x121: {  	v10 =	vor.u32 @!p2 v15, v10;
	_ =	sdelay $0x4  }
0x122: {  	[tilespmem:v10+s7+$0x0] =	vst.idx.msk @!p2 $0xffff, v9  }
0x123: {  	v10 =	vld @!p2 [tilespmem:$0x3D00];
	_ =	sdelay $0x4  }
0x124: {  	v10 =	vshll.u32 @!p2 v10, $0x7  }
0x125: {  	v10 =	vor.u32 @!p2 v16, v10;
	_ =	sdelay $0x4  }
0x126: {  	[tilespmem:v10+s7+$0x0] =	vst.idx.msk @!p2 $0xffff, v9  }
0x127: {  	v10 =	vld @!p2 [tilespmem:$0x3D80];
	_ =	sdelay $0x4  }
0x128: {  	v10 =	vshll.u32 @!p2 v10, $0x7  }
0x129: {  	v10 =	vor.u32 @!p2 v17, v10;
	_ =	sdelay $0x4  }
0x12a: {  	[tilespmem:v10+s7+$0x0] =	vst.idx.msk @!p2 $0xffff, v9  }
0x12b: {  	_ =	swait.ge [sflag:s23], $0x80  }
0x12c: {  	[sflag:s23] =	ssyncset.done $0x0  }
0x12d: {  	[sflag:s23] =	ssyncadd.s32 $0xFFFFFF80  }
0x12e: {  	v9 =	vld [tilespmem:$0x3500];
	_ =	sdelay $0x7  }
0x12f: {  	v9 =	vld.idx.msk [tilespmem:v9+s4+$0x0], $0xffff;
	_ =	sdelay $0x4  }
0x130: {  	v10 =	vand.u32 $0xFFFFFF80, v9;
	v11 =	vshll.u32 v9, $0x7  }
0x131: {  	v56 =	vand.u32 $0x7F, v9;
	v10 =	vadd.s32 v10, v11  }
0x132: {  	v10 =	vor.u32 v56, v10;
	_ =	sdelay $0x4  }
0x133: {  	v11 =	vor.u32 v0, v11;
	v10 =	vld.idx.msk [tilespmem:v10+s15+$0x0], $0xffff;
	_ =	sdelay $0x4  }
0x134: {  	[tilespmem:v11+s24+$0x0] =	vst.idx.msk $0xffff, v10  }
0x135: {  	v10 =	vld [tilespmem:$0x3510];
	_ =	sdelay $0x6  }
0x136: {  	[tilespmem:$0x3A00] =	vst v9  }
0x137: {  	v9 =	vld.idx.msk [tilespmem:v10+s4+$0x0], $0xffff;
	_ =	sdelay $0x4  }
0x138: {  	v10 =	vand.u32 $0xFFFFFF80, v9;
	v11 =	vshll.u32 v9, $0x7  }
0x139: {  	v57 =	vand.u32 $0x7F, v9;
	v10 =	vadd.s32 v10, v11  }
0x13a: {  	v10 =	vor.u32 v57, v10;
	_ =	sdelay $0x4  }
0x13b: {  	v11 =	vor.u32 v2, v11;
	v10 =	vld.idx.msk [tilespmem:v10+s15+$0x0], $0xffff;
	_ =	sdelay $0x4  }
0x13c: {  	[tilespmem:v11+s24+$0x0] =	vst.idx.msk $0xffff, v10  }
0x13d: {  	v10 =	vld [tilespmem:$0x3520];
	_ =	sdelay $0x6  }
0x13e: {  	[tilespmem:$0x3A80] =	vst v9  }
0x13f: {  	v9 =	vld.idx.msk [tilespmem:v10+s4+$0x0], $0xffff;
	_ =	sdelay $0x4  }
0x140: {  	v10 =	vand.u32 $0xFFFFFF80, v9;
	v11 =	vshll.u32 v9, $0x7  }
0x141: {  	v58 =	vand.u32 $0x7F, v9;
	v10 =	vadd.s32 v10, v11  }
0x142: {  	v10 =	vor.u32 v58, v10;
	_ =	sdelay $0x4  }
0x143: {  	v11 =	vor.u32 v3, v11;
	v10 =	vld.idx.msk [tilespmem:v10+s15+$0x0], $0xffff;
	_ =	sdelay $0x4  }
0x144: {  	[tilespmem:v11+s24+$0x0] =	vst.idx.msk $0xffff, v10  }
0x145: {  	v10 =	vld [tilespmem:$0x3530];
	_ =	sdelay $0x6  }
0x146: {  	[tilespmem:$0x3B00] =	vst v9  }
0x147: {  	v9 =	vld.idx.msk [tilespmem:v10+s4+$0x0], $0xffff;
	_ =	sdelay $0x4  }
0x148: {  	v10 =	vand.u32 $0xFFFFFF80, v9;
	v11 =	vshll.u32 v9, $0x7  }
0x149: {  	v59 =	vand.u32 $0x7F, v9;
	v10 =	vadd.s32 v10, v11  }
0x14a: {  	v10 =	vor.u32 v59, v10;
	_ =	sdelay $0x4  }
0x14b: {  	v11 =	vor.u32 v4, v11;
	v10 =	vld.idx.msk [tilespmem:v10+s15+$0x0], $0xffff;
	_ =	sdelay $0x4  }
0x14c: {  	[tilespmem:v11+s24+$0x0] =	vst.idx.msk $0xffff, v10  }
0x14d: {  	v10 =	vld [tilespmem:$0x3540];
	_ =	sdelay $0x6  }
0x14e: {  	[tilespmem:$0x3B80] =	vst v9  }
0x14f: {  	v9 =	vld.idx.msk [tilespmem:v10+s4+$0x0], $0xffff;
	_ =	sdelay $0x4  }
0x150: {  	v10 =	vand.u32 $0xFFFFFF80, v9;
	v11 =	vshll.u32 v9, $0x7  }
0x151: {  	v60 =	vand.u32 $0x7F, v9;
	v10 =	vadd.s32 v10, v11  }
0x152: {  	v10 =	vor.u32 v60, v10;
	_ =	sdelay $0x4  }
0x153: {  	v11 =	vor.u32 v5, v11;
	v10 =	vld.idx.msk [tilespmem:v10+s15+$0x0], $0xffff;
	_ =	sdelay $0x4  }
0x154: {  	[tilespmem:v11+s24+$0x0] =	vst.idx.msk $0xffff, v10  }
0x155: {  	v10 =	vld [tilespmem:$0x3550];
	_ =	sdelay $0x6  }
0x156: {  	[tilespmem:$0x3C00] =	vst v9  }
0x157: {  	v9 =	vld.idx.msk [tilespmem:v10+s4+$0x0], $0xffff;
	_ =	sdelay $0x4  }
0x158: {  	v10 =	vand.u32 $0xFFFFFF80, v9;
	v11 =	vshll.u32 v9, $0x7  }
0x159: {  	v61 =	vand.u32 $0x7F, v9;
	v10 =	vadd.s32 v10, v11  }
0x15a: {  	v10 =	vor.u32 v61, v10;
	_ =	sdelay $0x4  }
0x15b: {  	v11 =	vor.u32 v6, v11;
	v10 =	vld.idx.msk [tilespmem:v10+s15+$0x0], $0xffff;
	_ =	sdelay $0x4  }
0x15c: {  	[tilespmem:v11+s24+$0x0] =	vst.idx.msk $0xffff, v10  }
0x15d: {  	v10 =	vld [tilespmem:$0x3560];
	_ =	sdelay $0x6  }
0x15e: {  	[tilespmem:$0x3C80] =	vst v9  }
0x15f: {  	v9 =	vld.idx.msk [tilespmem:v10+s4+$0x0], $0xffff;
	_ =	sdelay $0x4  }
0x160: {  	v10 =	vand.u32 $0xFFFFFF80, v9;
	v11 =	vshll.u32 v9, $0x7  }
0x161: {  	v62 =	vand.u32 $0x7F, v9;
	v10 =	vadd.s32 v10, v11  }
0x162: {  	v10 =	vor.u32 v62, v10;
	_ =	sdelay $0x4  }
0x163: {  	v11 =	vor.u32 v7, v11;
	v10 =	vld.idx.msk [tilespmem:v10+s15+$0x0], $0xffff;
	_ =	sdelay $0x4  }
0x164: {  	[tilespmem:v11+s24+$0x0] =	vst.idx.msk $0xffff, v10  }
0x165: {  	v10 =	vld [tilespmem:$0x3570];
	_ =	sdelay $0x6  }
0x166: {  	[tilespmem:$0x3D00] =	vst v9  }
0x167: {  	v9 =	vld.idx.msk [tilespmem:v10+s4+$0x0], $0xffff;
	_ =	sdelay $0x4  }
0x168: {  	v10 =	vand.u32 $0xFFFFFF80, v9;
	v11 =	vshll.u32 v9, $0x7  }
0x169: {  	v63 =	vand.u32 $0x7F, v9;
	v10 =	vadd.s32 v10, v11  }
0x16a: {  	v10 =	vor.u32 v63, v10;
	_ =	sdelay $0x4  }
0x16b: {  	v11 =	vor.u32 v8, v11;
	v10 =	vld.idx.msk [tilespmem:v10+s15+$0x0], $0xffff;
	_ =	sdelay $0x4  }
0x16c: {  	[tilespmem:v11+s24+$0x0] =	vst.idx.msk $0xffff, v10  }
0x16d: {  	p2 =	sgt.u32 s13, $0x2CC;
	[tilespmem:$0x3D80] =	vst v9  }
0x16e: {  	[hbm4b:s12+s20] =	stream.strided.scatter [tilespmem:s24], [sflag:$0x4], $0x3000, s21, s20, $0x38;
	[tilespmem:$0xDA00] =	vst v63  }
0x16f: {  	s30 =	sadd.s32 $0x125400, s12;
	s7 =	sadd.s32 @!p2 s0, s11;
	s29 =	simm.s32 @!p2 $0x0  }
0x170: {  	[hbm4b:s30+s4] =	stream.linear.scatter [tilespmem:s25], [sflag:$0x4], $0x200, $0x38;
	[tilespmem:$0xDA00] =	vst v63  }
0x171: {  	s0 =	sadd.s32 $0x400, s0;
	s7 =	sadd.s32 @!p2 $0x600, s7;
	s30 =	simm.s32 @!p2 $0x3500  }
0x172: {  	[tilespmem:s30], [sflag:$0x2] =	stream.linear.gather @!p2 [hbm4b:s7+s29], $0x80, $0x38;
	[tilespmem:$0xDA00] =	vst v63  }
0x173: {  	p2 =	sne.s32 s0, $0x3000  }
.Ltmp5:
0x174: {  	_ = 	snop;
	(pc) =	sbr.rel @p2 .LBB2_8-.Ltmp5, $2  }
0x175: {  	_ =	sdelay $0x2  }
0x176: {  	s13 =	sadd.s32 $0x40, s13;
	s12 =	sadd.s32 $0x2000, s12  }
0x177: {  	_ =	swait.ge [sflag:s26], $0x3200  }
0x178: {  	[sflag:s26] =	ssyncset.done $0x0  }
0x179: {  	[sflag:s26] =	ssyncadd.s32 $0xFFFFCE00  }
0x17a: {  	v9 =	vld [tilespmem:$0x3600];
	_ =	sdelay $0x4  }
0x17b: {  	v9 =	vshll.u32 v9, $0x7  }
0x17c: {  	v9 =	vor.u32 v0, v9;
	_ =	sdelay $0x4  }
0x17d: {  	[tilespmem:v9+s19+$0x0] =	vst.idx.msk $0xffff, v1  }
0x17e: {  	v9 =	vld [tilespmem:$0x3680];
	_ =	sdelay $0x4  }
0x17f: {  	v9 =	vshll.u32 v9, $0x7  }
0x180: {  	v9 =	vor.u32 v2, v9;
	_ =	sdelay $0x4  }
0x181: {  	[tilespmem:v9+s19+$0x0] =	vst.idx.msk $0xffff, v1  }
0x182: {  	v9 =	vld [tilespmem:$0x3700];
	_ =	sdelay $0x4  }
0x183: {  	v9 =	vshll.u32 v9, $0x7  }
0x184: {  	v9 =	vor.u32 v3, v9;
	_ =	sdelay $0x4  }
0x185: {  	[tilespmem:v9+s19+$0x0] =	vst.idx.msk $0xffff, v1  }
0x186: {  	v9 =	vld [tilespmem:$0x3780];
	_ =	sdelay $0x4  }
0x187: {  	v9 =	vshll.u32 v9, $0x7  }
0x188: {  	v9 =	vor.u32 v4, v9;
	_ =	sdelay $0x4  }
0x189: {  	[tilespmem:v9+s19+$0x0] =	vst.idx.msk $0xffff, v1  }
0x18a: {  	v9 =	vld [tilespmem:$0x3800];
	_ =	sdelay $0x4  }
0x18b: {  	v9 =	vshll.u32 v9, $0x7  }
0x18c: {  	v9 =	vor.u32 v5, v9;
	_ =	sdelay $0x4  }
0x18d: {  	[tilespmem:v9+s19+$0x0] =	vst.idx.msk $0xffff, v1  }
0x18e: {  	v9 =	vld [tilespmem:$0x3880];
	_ =	sdelay $0x4  }
0x18f: {  	v9 =	vshll.u32 v9, $0x7  }
0x190: {  	v9 =	vor.u32 v6, v9;
	_ =	sdelay $0x4  }
0x191: {  	[tilespmem:v9+s19+$0x0] =	vst.idx.msk $0xffff, v1  }
0x192: {  	v9 =	vld [tilespmem:$0x3900];
	_ =	sdelay $0x4  }
0x193: {  	v9 =	vshll.u32 v9, $0x7  }
0x194: {  	v9 =	vor.u32 v7, v9;
	_ =	sdelay $0x4  }
0x195: {  	[tilespmem:v9+s19+$0x0] =	vst.idx.msk $0xffff, v1  }
0x196: {  	v9 =	vld [tilespmem:$0x3980];
	_ =	sdelay $0x4  }
0x197: {  	v9 =	vshll.u32 v9, $0x7  }
0x198: {  	v9 =	vor.u32 v8, v9  }
.Ltmp6:
0x199: {  	_ = 	snop;
	(pc) =	sbr.rel @p0 .LBB2_12-.Ltmp6, $2  }
0x19a: {  	_ =	sdelay $0x2  }
0x19b: {  	[tilespmem:v9+s19+$0x0] =	vst.idx.msk $0xffff, v1  }
.Ltmp7:
0x19c: {  	(pc) =	sbr.rel @p1 .LBB2_14-.Ltmp7, $2  }
0x19d: {  	_ =	sdelay $0x2  }
0x19e: {  	s12 =	simm.s32 $0x4  }
0x19f: {  	s0 =	rddreg [dreg:$0x5];
	s7 =	simm.s32 $0x3580  }
0x1a0: {  	[tilespmem:s7], [sflag:$0x5] =	stream.linear.gather [hbm4b:s0+s4], $0x20, $0x38;
	[tilespmem:$0xDA00] =	vst v63  }
0x1a1: {  	s0 =	simm.s32 $0x5  }
0x1a2: {  	_ =	swait.ge [sflag:s0], $0x20  }
0x1a3: {  	[sflag:s0] =	ssyncset.done $0x0  }
0x1a4: {  	[sflag:s0] =	ssyncadd.s32 $0xFFFFFFE0  }
0x1a5: {  	v9 =	vld [tilespmem:$0x3580];
	_ =	sdelay $0x7  }
0x1a6: {  	v9 =	vld.idx.msk [tilespmem:v9+s4+$0x0], $0xffff;
	_ =	sdelay $0x4  }
0x1a7: {  	v10 =	vand.u32 $0xFFFFFF80, v9;
	v11 =	vshll.u32 v9, $0x7  }
0x1a8: {  	v9 =	vand.u32 $0x7F, v9;
	v10 =	vadd.s32 v10, v11  }
0x1a9: {  	v9 =	vor.u32 v9, v10;
	_ =	sdelay $0x4  }
0x1aa: {  	v10 =	vor.u32 v0, v11;
	v9 =	vld.idx.msk [tilespmem:v9+s15+$0x0], $0xffff;
	_ =	sdelay $0x3  }
0x1ab: {  	s29 =	simm.s32 $0xA600  }
0x1ac: {  	[tilespmem:v10+s29+$0x0] =	vst.idx.msk $0xffff, v9  }
0x1ad: {  	v9 =	vld [tilespmem:$0x3590];
	_ =	sdelay $0x7  }
0x1ae: {  	v9 =	vld.idx.msk [tilespmem:v9+s4+$0x0], $0xffff;
	_ =	sdelay $0x4  }
0x1af: {  	v10 =	vand.u32 $0xFFFFFF80, v9;
	v11 =	vshll.u32 v9, $0x7  }
0x1b0: {  	v9 =	vand.u32 $0x7F, v9;
	v10 =	vadd.s32 v10, v11  }
0x1b1: {  	v9 =	vor.u32 v9, v10;
	_ =	sdelay $0x4  }
0x1b2: {  	v10 =	vor.u32 v2, v11;
	v9 =	vld.idx.msk [tilespmem:v9+s15+$0x0], $0xffff;
	_ =	sdelay $0x4  }
.Ltmp8:
0x1b3: {  	[tilespmem:v10+s29+$0x0] =	vst.idx.msk $0xffff, v9;
	(pc) =	sbr.rel .LBB2_13-.Ltmp8, $4  }
0x1b4: {  	[hbm4b:s8+s20] =	stream.strided.scatter [tilespmem:s29], [sflag:$0x5], $0x3000, s21, s20, $0x38;
	[tilespmem:$0xDA00] =	vst v63  }
0x1b5: {  	s30 =	sadd.s32 $0x125400, s8;
	s12 =	simm.s32 $0xD600  }
0x1b6: {  	[hbm4b:s30+s4] =	stream.linear.scatter [tilespmem:s12], [sflag:$0x5], $0x200, $0x38;
	[tilespmem:$0xDA00] =	vst v63  }
0x1b7: {  	s12 =	simm.s32 $0x4  }
.LBB2_15:
0x1b8: {  	_ =	sfence.sel $0x180000  }
0x1b9: {  	[bflag:$0x0] =	sbarrier.arrive $0xFFFF  }
0x1ba: {  	_ =	strace $0x90000047  }
0x1bb: {  	s0 =	stileid.u32;
	[bflag:$0x2] =	sbarrier.arrive $0xFFFF  }
0x1bc: {  	p0 =	sne.s32 s0, $0x0;
	s0 =	rddreg [dreg:$0x4]  }
0x1bd: {  	s0 =	sadd.s32 @!p0 $0x100000, s0  }
0x1be: {  	[sflag:s0] =	ssyncadd.tile.s32 @!p0 $0x1;
	_ =	shalt  }
.Lfunc_end2:
_tile_overlayer_lowered:
.L_overlay_start_2:
0x1bf: {  	(tag) =	ssettag $0x2  }
0x1c0: {  	s0 =	rddreg [dreg:$0x0];
	s2 =	stileid.u32  }
0x1c1: {  	s1 =	rddreg [dreg:$0x1];
	p0 =	sne.s32 s2, $0x0  }
0x1c2: {  	s3 =	rddreg [dreg:$0x2];
	[bflag:$0x3] =	sbarrier.arrive $0xFFFF;
	s2 =	simm.s32 @!p0 $0x1C05  }
0x1c3: {  	[timem:s3], [sflag:s2] =	dma.local @!p0 [hbm:s0], s1  }
0x1c4: {  	s0 =	simm.s32 @!p0 $0x5  }
0x1c5: {  	_ =	swait.ge @!p0 [sflag:s0], s1  }
0x1c6: {  	s1 =	ssub.s32 @!p0 $0x0, s1;
	[sflag:s0] =	ssyncset.done @!p0 $0x0  }
0x1c7: {  	[sflag:s0] =	ssyncadd.s32 @!p0 s1  }
0x1c8: {  	[bflag:$0x3] =	sbarrier.arrive $0xFFFF  }
0x1c9: {  	_ =	shalt  }

</sc_bundles>
